<compile_context>
chip_gen: v7x
topology: tpu7x:2x2x1
jax: 0.10.2.dev20260603
libtpu: 0.0.44.dev20260713+nightly
codegen_flags: <defaults>
</compile_context>

<pallas_src>
import functools

import jax
import jax.numpy as jnp
from jax import lax
from jax.experimental import pallas as pl
from jax.experimental.pallas import tpu as pltpu
from jax.experimental.pallas import tpu_sc as plsc

SEP = 7
LANES = 16
ROWS_PER_CHUNK = 16


def _body(seq, batch, vocab, vpad, logits_hbm, di_hbm, w2s_hbm, out_hbm,
          di_v, w2s_v, rs_row_v, rs_bcast_v, in_bufs, out_bufs,
          sem_di, sem_tbl, sems_in, sems_out):
    my_s = lax.axis_index("c") * 16 + lax.axis_index("s")
    ngroups = batch // LANES
    nchunks = batch // ROWS_PER_CHUNK
    offs = [j * LANES for j in range(vocab // LANES)]
    if vocab % LANES:
        offs.append(vocab - LANES)

    cp_di = pltpu.make_async_copy(di_hbm, di_v, sem_di)
    cp_di.start()
    cp_tbl = pltpu.make_async_copy(w2s_hbm, w2s_v, sem_tbl)
    cp_tbl.start()

    def in_copy(k):
        return pltpu.make_async_copy(
            logits_hbm.at[my_s, pl.ds(k * ROWS_PER_CHUNK, ROWS_PER_CHUNK), :],
            in_bufs[k % 2],
            sems_in[k % 2])

    def out_copy(k):
        return pltpu.make_async_copy(
            in_bufs[k % 2],
            out_hbm.at[my_s, pl.ds(k * ROWS_PER_CHUNK, ROWS_PER_CHUNK), :],
            sems_out[k % 2])

    in_copy(0).start()
    in_copy(1).start()
    cp_di.wait()
    cp_tbl.wait()

    def full(v):
        return jnp.full((LANES,), v, jnp.int32)

    def group_body(w, carry):
        c0, c2, c5, c7 = full(0), full(2), full(5), full(7)
        rs = c0
        seg = c0
        snap = c0
        for t in range(seq):
            tok = di_v[t, pl.ds(w * LANES, LANES)]
            is_sep = tok == c7
            sep_i = jnp.where(is_sep, full(1), c0)
            if t == 0:
                seg = sep_i
                rs = jnp.where(is_sep, c7, c5)
            else:
                syl = plsc.load_gather(w2s_v, [tok])
                rs = jnp.maximum(rs - syl, c0)
                seg = jnp.minimum(seg + sep_i, c5)
                pat = jnp.where(seg == c5, c0,
                                jnp.where((seg == c0) | (seg == c2), c5, c7))
                rs = jnp.where(is_sep, pat, rs)
            snap = jnp.where(t == my_s, rs, snap)
        rs_row_v[pl.ds(w * LANES, LANES)] = snap
        return carry

    lax.fori_loop(0, ngroups, group_body, 0)

    def splat_body(b, carry):
        idx = jnp.broadcast_to(b, (LANES,)).astype(jnp.int32)
        rs_bcast_v[b] = plsc.load_gather(rs_row_v, [idx])
        return carry

    lax.fori_loop(0, batch, splat_body, 0)

    minf = jnp.full((LANES,), -jnp.inf, jnp.float32)

    for k in range(nchunks):
        in_copy(k).wait()
        if k >= 2:
            out_copy(k - 2).wait()
        inb = in_bufs[k % 2]
        outb = out_bufs[k % 2]
        base = k * ROWS_PER_CHUNK

        del inb, outb, base
        out_copy(k).start()
        if k + 2 < nchunks:
            in_copy(k + 2).start()

    out_copy(nchunks - 2).wait()
    out_copy(nchunks - 1).wait()


def kernel(logits, decoder_input, word2syllables):
    seq, batch = decoder_input.shape
    vocab = logits.shape[-1]
    vpad = (-vocab) % LANES
    w2s_pad = jnp.concatenate(
        [word2syllables, jnp.zeros((vpad,), word2syllables.dtype)])

    fn = pl.kernel(
        functools.partial(_body, seq, batch, vocab, vpad),
        out_type=jax.ShapeDtypeStruct((seq, batch, vocab), jnp.float32),
        mesh=plsc.VectorSubcoreMesh(core_axis_name="c", subcore_axis_name="s"),
        compiler_params=pltpu.CompilerParams(needs_layout_passes=False),
        scratch_types=[
            pltpu.VMEM((seq, batch), jnp.int32),
            pltpu.VMEM((vocab + vpad,), jnp.int32),
            pltpu.VMEM((batch,), jnp.int32),
            pltpu.VMEM((batch, LANES), jnp.int32),
            [pltpu.VMEM((ROWS_PER_CHUNK, vocab), jnp.float32)
             for _ in range(2)],
            [pltpu.VMEM((ROWS_PER_CHUNK, vocab), jnp.float32)
             for _ in range(2)],
            pltpu.SemaphoreType.DMA,
            pltpu.SemaphoreType.DMA,
            [pltpu.SemaphoreType.DMA for _ in range(2)],
            [pltpu.SemaphoreType.DMA for _ in range(2)],
        ],
    )
    return fn(logits, decoder_input, w2s_pad)

# --- scband reference (transcript-rebuilt; emitter-appended) ---
"""Pipeline reference for scband-logits-mask-layer-34720515620877 (READ-ONLY COPY).

The authoritative reference and input builder live on the scoring server;
editing this copy changes nothing except your own understanding.
"""

import jax, jax.numpy as jnp
import numpy as np

SEP_TOKEN = 7
UNK_TOKEN = 999


def get_remain_syllables(decoder_input, word2syllables):
    # Faithful port of LogitsMaskLayer.get_remain_syllables (sequential recurrence over seq dim).
    pattern = jnp.asarray([5, 7, 5, 7, 7, 0], dtype=word2syllables.dtype)
    tok0 = decoder_input[0]
    is_sep0 = tok0 == SEP_TOKEN
    seg0 = is_sep0.astype(word2syllables.dtype)  # cur_segment after first step
    rs0 = jnp.where(is_sep0, pattern[1], pattern[0])

    def step(carry, tok):
        rs_prev, seg = carry
        rs = jnp.maximum(rs_prev - word2syllables[tok], 0)
        is_sep = tok == SEP_TOKEN
        seg = jnp.minimum(seg + is_sep.astype(seg.dtype), 5)
        rs = jnp.where(is_sep, pattern[seg], rs)
        return (rs, seg), rs

    (_, _), rs_rest = jax.lax.scan(step, (rs0, seg0), decoder_input[1:])
    return jnp.concatenate([rs0[None], rs_rest], axis=0)  # [seq, batch]


def setup_inputs(seed: int = 0):
    key = jax.random.key(seed)
    k1, k2 = jax.random.split(key)
    logits = jax.random.normal(k1, (32, 128, 1000), dtype=jnp.float32)
    decoder_input = jax.random.randint(k2, (32, 128), 0, 1000, dtype=jnp.int32)
    # matches init_kwargs word2syllables: tile([1,2,3,4,5,6,7,0], 125) -> len 1000
    word2syllables = jnp.tile(jnp.asarray([1, 2, 3, 4, 5, 6, 7, 0], dtype=jnp.int32), 125)
    return {"logits": logits, "decoder_input": decoder_input, "word2syllables": word2syllables}


def reference(logits, decoder_input, word2syllables):
    # forward with remain_syllables=None, use_cache=False, sample_n_to_check=1, only_last_step=False
    remain = get_remain_syllables(decoder_input, word2syllables)  # [seq, batch]
    seq_len, batch = remain.shape
    vocab = logits.shape[-1]
    # word2syl.view(1,1,-1).expand(seq,batch,-1) > remain.unsqueeze(-1)
    word_mask = word2syllables[None, None, :] > remain[:, :, None]  # [seq, batch, vocab]
    # logits.view(seq, 1, batch, vocab).masked_fill(mask.unsqueeze(1)).view(seq, batch, vocab)
    out = jnp.where(word_mask, -jnp.inf, logits)
    return out

if __name__ == "__main__":
    import jax
    _d = setup_inputs()
    print(jax.jit(kernel)(*tuple(_d.values())))

</pallas_src>

<mosaic_0001>
#map = affine_map<(d0, d1) -> (0, 0, 0)>
#map1 = affine_map<(d0, d1) -> (0, 0)>
#map2 = affine_map<(d0, d1) -> (0)>
module attributes {stable_mosaic.version = 14 : i64} {
  func.func @_body(%arg0: i32, %arg1: i32, %arg2: memref<32x128x1000xf32, #tpu.memory_space<hbm>>, %arg3: memref<32x128xi32, #tpu.memory_space<hbm>>, %arg4: memref<1008xi32, #tpu.memory_space<hbm>>, %arg5: memref<32x128x1000xf32, #tpu.memory_space<hbm>>, %arg6: memref<32x128xi32, #tpu.memory_space<vmem>>, %arg7: memref<1008xi32, #tpu.memory_space<vmem>>, %arg8: memref<128xi32, #tpu.memory_space<vmem>>, %arg9: memref<128x16xi32, #tpu.memory_space<vmem>>, %arg10: memref<16x1000xf32, #tpu.memory_space<vmem>>, %arg11: memref<16x1000xf32, #tpu.memory_space<vmem>>, %arg12: memref<16x1000xf32, #tpu.memory_space<vmem>>, %arg13: memref<16x1000xf32, #tpu.memory_space<vmem>>, %arg14: memref<!tpu.dma_semaphore, #tpu.memory_space<semaphore_mem>>, %arg15: memref<!tpu.dma_semaphore, #tpu.memory_space<semaphore_mem>>, %arg16: memref<!tpu.dma_semaphore, #tpu.memory_space<semaphore_mem>>, %arg17: memref<!tpu.dma_semaphore, #tpu.memory_space<semaphore_mem>>, %arg18: memref<!tpu.dma_semaphore, #tpu.memory_space<semaphore_mem>>, %arg19: memref<!tpu.dma_semaphore, #tpu.memory_space<semaphore_mem>>) attributes {dimension_semantics = [#tpu.dimension_semantics<core_parallel>, #tpu.dimension_semantics<subcore_parallel>], iteration_bounds = array<i64: 2, 16>, scalar_prefetch = 0 : i64, scratch_operands = 14 : i64, tpu.core_type = #tpu.core_type<sc_vector_subcore>, window_params = [{transform_indices = #map}, {transform_indices = #map1}, {transform_indices = #map2}, {transform_indices = #map}]} {
    %mul3A = arith.constant 16 : i32
    %mul3A_0 = arith.muli %arg0, %mul3A : i32
    %add3A = arith.addi %mul3A_0, %arg1 : i32
    tpu.enqueue_dma source(%arg3 : memref<32x128xi32, #tpu.memory_space<hbm>>) target(%arg6 : memref<32x128xi32, #tpu.memory_space<vmem>>) target_semaphore(%arg14 : memref<!tpu.dma_semaphore, #tpu.memory_space<semaphore_mem>>)
    tpu.enqueue_dma source(%arg4 : memref<1008xi32, #tpu.memory_space<hbm>>) target(%arg7 : memref<1008xi32, #tpu.memory_space<vmem>>) target_semaphore(%arg15 : memref<!tpu.dma_semaphore, #tpu.memory_space<semaphore_mem>>)
    %dma_start3A = arith.constant 0 : i32
    %dma_start3A_1 = arith.constant 0 : i32
    %dma_start3A_2 = tpu.memref_slice %arg2[%add3A, %dma_start3A, %dma_start3A_1] : memref<32x128x1000xf32, #tpu.memory_space<hbm>> -> memref<1x16x1000xf32, #tpu.memory_space<hbm>>
    %dma_start3A_3 = tpu.memref_squeeze %dma_start3A_2 : memref<1x16x1000xf32, #tpu.memory_space<hbm>> -> memref<16x1000xf32, #tpu.memory_space<hbm>>
    %dma_start3A_4 = arith.constant 0 : i32
    %dma_start3A_5 = arith.constant 0 : i32
    %dma_start3A_6 = tpu.memref_slice %arg2[%add3A, %dma_start3A_4, %dma_start3A_5] : memref<32x128x1000xf32, #tpu.memory_space<hbm>> -> memref<1x16x1000xf32, #tpu.memory_space<hbm>>
    %dma_start3A_7 = tpu.memref_squeeze %dma_start3A_6 : memref<1x16x1000xf32, #tpu.memory_space<hbm>> -> memref<16x1000xf32, #tpu.memory_space<hbm>>
    tpu.enqueue_dma source(%dma_start3A_7 : memref<16x1000xf32, #tpu.memory_space<hbm>>) target(%arg10 : memref<16x1000xf32, #tpu.memory_space<vmem>>) target_semaphore(%arg16 : memref<!tpu.dma_semaphore, #tpu.memory_space<semaphore_mem>>)
    %dma_start3A_8 = arith.constant 16 : i32
    %dma_start3A_9 = arith.constant 0 : i32
    %dma_start3A_10 = tpu.memref_slice %arg2[%add3A, %dma_start3A_8, %dma_start3A_9] : memref<32x128x1000xf32, #tpu.memory_space<hbm>> -> memref<1x16x1000xf32, #tpu.memory_space<hbm>>
    %dma_start3A_11 = tpu.memref_squeeze %dma_start3A_10 : memref<1x16x1000xf32, #tpu.memory_space<hbm>> -> memref<16x1000xf32, #tpu.memory_space<hbm>>
    %dma_start3A_12 = arith.constant 16 : i32
    %dma_start3A_13 = arith.constant 0 : i32
    %dma_start3A_14 = tpu.memref_slice %arg2[%add3A, %dma_start3A_12, %dma_start3A_13] : memref<32x128x1000xf32, #tpu.memory_space<hbm>> -> memref<1x16x1000xf32, #tpu.memory_space<hbm>>
    %dma_start3A_15 = tpu.memref_squeeze %dma_start3A_14 : memref<1x16x1000xf32, #tpu.memory_space<hbm>> -> memref<16x1000xf32, #tpu.memory_space<hbm>>
    tpu.enqueue_dma source(%dma_start3A_15 : memref<16x1000xf32, #tpu.memory_space<hbm>>) target(%arg11 : memref<16x1000xf32, #tpu.memory_space<vmem>>) target_semaphore(%arg17 : memref<!tpu.dma_semaphore, #tpu.memory_space<semaphore_mem>>)
    tpu.wait_dma2 semaphore(%arg14 : memref<!tpu.dma_semaphore, #tpu.memory_space<semaphore_mem>>) src(%arg3 : memref<32x128xi32, #tpu.memory_space<hbm>>) dst(%arg6 : memref<32x128xi32, #tpu.memory_space<vmem>>)
    tpu.wait_dma2 semaphore(%arg15 : memref<!tpu.dma_semaphore, #tpu.memory_space<semaphore_mem>>) src(%arg4 : memref<1008xi32, #tpu.memory_space<hbm>>) dst(%arg7 : memref<1008xi32, #tpu.memory_space<vmem>>)
    %scan3A = arith.constant 0 : i32
    %scan3A_16 = arith.constant 0 : i32
    %scan3A_17 = arith.constant 8 : i32
    %scan3A_18 = arith.addi %scan3A_16, %scan3A_17 : i32
    %scan3A_19 = arith.constant 1 : i32
    scf.for %scan3A_267 = %scan3A_16 to %scan3A_18 step %scan3A_19  : i32 {
      %broadcast_in_dim3A_268 = arith.constant 0 : i32
      %broadcast_in_dim3A_269 = vector.broadcast %broadcast_in_dim3A_268 : i32 to vector<16xi32>
      %broadcast_in_dim3A_270 = arith.constant 2 : i32
      %broadcast_in_dim3A_271 = vector.broadcast %broadcast_in_dim3A_270 : i32 to vector<16xi32>
      %broadcast_in_dim3A_272 = arith.constant 5 : i32
      %broadcast_in_dim3A_273 = vector.broadcast %broadcast_in_dim3A_272 : i32 to vector<16xi32>
      %broadcast_in_dim3A_274 = arith.constant 7 : i32
      %broadcast_in_dim3A_275 = vector.broadcast %broadcast_in_dim3A_274 : i32 to vector<16xi32>
      %mul3A_276 = arith.constant 16 : i32
      %mul3A_277 = arith.muli %scan3A_267, %mul3A_276 : i32
      %get3A = arith.constant 0 : i32
      %get3A_278 = arith.index_cast %get3A : i32 to index
      %get3A_279 = arith.index_cast %mul3A_277 : i32 to index
      %get3A_280 = tpu.vector_load %arg6[%get3A_278, %get3A_279] {strides = array<i32>} : memref<32x128xi32, #tpu.memory_space<vmem>>, vector<16xi32>,
      %eq3A = arith.cmpi eq, %get3A_280, %broadcast_in_dim3A_275 : vector<16xi32>
      %broadcast_in_dim3A_281 = arith.constant 1 : i32
      %broadcast_in_dim3A_282 = vector.broadcast %broadcast_in_dim3A_281 : i32 to vector<16xi32>
      %select_n3A = arith.select %eq3A, %broadcast_in_dim3A_282, %broadcast_in_dim3A_269 : vector<16xi1>, vector<16xi32>
      %select_n3A_283 = arith.select %eq3A, %broadcast_in_dim3A_275, %broadcast_in_dim3A_273 : vector<16xi1>, vector<16xi32>
      %eq3A_284 = arith.constant 0 : i32
      %eq3A_285 = arith.cmpi eq, %add3A, %eq3A_284 : i32
      %select_n3A_286 = arith.select %eq3A_285, %select_n3A_283, %broadcast_in_dim3A_269 : vector<16xi32>
      %mul3A_287 = arith.constant 16 : i32
      %mul3A_288 = arith.muli %scan3A_267, %mul3A_287 : i32
      %get3A_289 = arith.constant 1 : i32
      %get3A_290 = arith.index_cast %get3A_289 : i32 to index
      %get3A_291 = arith.index_cast %mul3A_288 : i32 to index
      %get3A_292 = tpu.vector_load %arg6[%get3A_290, %get3A_291] {strides = array<i32>} : memref<32x128xi32, #tpu.memory_space<vmem>>, vector<16xi32>,
      %eq3A_293 = arith.cmpi eq, %get3A_292, %broadcast_in_dim3A_275 : vector<16xi32>
      %broadcast_in_dim3A_294 = arith.constant 1 : i32
      %broadcast_in_dim3A_295 = vector.broadcast %broadcast_in_dim3A_294 : i32 to vector<16xi32>
      %select_n3A_296 = arith.select %eq3A_293, %broadcast_in_dim3A_295, %broadcast_in_dim3A_269 : vector<16xi1>, vector<16xi32>
      %gather3A = tpu.vector_load_idx %arg7[%get3A_292] : memref<1008xi32, #tpu.memory_space<vmem>>[vector<16xi32>], vector<16xi32>,
      %sub3A = arith.subi %select_n3A_283, %gather3A : vector<16xi32>
      %max3A = arith.maxsi %sub3A, %broadcast_in_dim3A_269 : vector<16xi32>
      %add3A_297 = arith.addi %select_n3A, %select_n3A_296 : vector<16xi32>
      %min3A = arith.minsi %add3A_297, %broadcast_in_dim3A_273 : vector<16xi32>
      %eq3A_298 = arith.cmpi eq, %min3A, %broadcast_in_dim3A_273 : vector<16xi32>
      %eq3A_299 = arith.cmpi eq, %min3A, %broadcast_in_dim3A_269 : vector<16xi32>
      %eq3A_300 = arith.cmpi eq, %min3A, %broadcast_in_dim3A_271 : vector<16xi32>
      %or3A = arith.ori %eq3A_299, %eq3A_300 : vector<16xi1>
      %select_n3A_301 = arith.select %or3A, %broadcast_in_dim3A_273, %broadcast_in_dim3A_275 : vector<16xi1>, vector<16xi32>
      %select_n3A_302 = arith.select %eq3A_298, %broadcast_in_dim3A_269, %select_n3A_301 : vector<16xi1>, vector<16xi32>
      %select_n3A_303 = arith.select %eq3A_293, %select_n3A_302, %max3A : vector<16xi1>, vector<16xi32>
      %eq3A_304 = arith.constant 1 : i32
      %eq3A_305 = arith.cmpi eq, %add3A, %eq3A_304 : i32
      %select_n3A_306 = arith.select %eq3A_305, %select_n3A_303, %select_n3A_286 : vector<16xi32>
      %mul3A_307 = arith.constant 16 : i32
      %mul3A_308 = arith.muli %scan3A_267, %mul3A_307 : i32
      %get3A_309 = arith.constant 2 : i32
      %get3A_310 = arith.index_cast %get3A_309 : i32 to index
      %get3A_311 = arith.index_cast %mul3A_308 : i32 to index
      %get3A_312 = tpu.vector_load %arg6[%get3A_310, %get3A_311] {strides = array<i32>} : memref<32x128xi32, #tpu.memory_space<vmem>>, vector<16xi32>,
      %eq3A_313 = arith.cmpi eq, %get3A_312, %broadcast_in_dim3A_275 : vector<16xi32>
      %broadcast_in_dim3A_314 = arith.constant 1 : i32
      %broadcast_in_dim3A_315 = vector.broadcast %broadcast_in_dim3A_314 : i32 to vector<16xi32>
      %select_n3A_316 = arith.select %eq3A_313, %broadcast_in_dim3A_315, %broadcast_in_dim3A_269 : vector<16xi1>, vector<16xi32>
      %gather3A_317 = tpu.vector_load_idx %arg7[%get3A_312] : memref<1008xi32, #tpu.memory_space<vmem>>[vector<16xi32>], vector<16xi32>,
      %sub3A_318 = arith.subi %select_n3A_303, %gather3A_317 : vector<16xi32>
      %max3A_319 = arith.maxsi %sub3A_318, %broadcast_in_dim3A_269 : vector<16xi32>
      %add3A_320 = arith.addi %min3A, %select_n3A_316 : vector<16xi32>
      %min3A_321 = arith.minsi %add3A_320, %broadcast_in_dim3A_273 : vector<16xi32>
      %eq3A_322 = arith.cmpi eq, %min3A_321, %broadcast_in_dim3A_273 : vector<16xi32>
      %eq3A_323 = arith.cmpi eq, %min3A_321, %broadcast_in_dim3A_269 : vector<16xi32>
      %eq3A_324 = arith.cmpi eq, %min3A_321, %broadcast_in_dim3A_271 : vector<16xi32>
      %or3A_325 = arith.ori %eq3A_323, %eq3A_324 : vector<16xi1>
      %select_n3A_326 = arith.select %or3A_325, %broadcast_in_dim3A_273, %broadcast_in_dim3A_275 : vector<16xi1>, vector<16xi32>
      %select_n3A_327 = arith.select %eq3A_322, %broadcast_in_dim3A_269, %select_n3A_326 : vector<16xi1>, vector<16xi32>
      %select_n3A_328 = arith.select %eq3A_313, %select_n3A_327, %max3A_319 : vector<16xi1>, vector<16xi32>
      %eq3A_329 = arith.constant 2 : i32
      %eq3A_330 = arith.cmpi eq, %add3A, %eq3A_329 : i32
      %select_n3A_331 = arith.select %eq3A_330, %select_n3A_328, %select_n3A_306 : vector<16xi32>
      %mul3A_332 = arith.constant 16 : i32
      %mul3A_333 = arith.muli %scan3A_267, %mul3A_332 : i32
      %get3A_334 = arith.constant 3 : i32
      %get3A_335 = arith.index_cast %get3A_334 : i32 to index
      %get3A_336 = arith.index_cast %mul3A_333 : i32 to index
      %get3A_337 = tpu.vector_load %arg6[%get3A_335, %get3A_336] {strides = array<i32>} : memref<32x128xi32, #tpu.memory_space<vmem>>, vector<16xi32>,
      %eq3A_338 = arith.cmpi eq, %get3A_337, %broadcast_in_dim3A_275 : vector<16xi32>
      %broadcast_in_dim3A_339 = arith.constant 1 : i32
      %broadcast_in_dim3A_340 = vector.broadcast %broadcast_in_dim3A_339 : i32 to vector<16xi32>
      %select_n3A_341 = arith.select %eq3A_338, %broadcast_in_dim3A_340, %broadcast_in_dim3A_269 : vector<16xi1>, vector<16xi32>
      %gather3A_342 = tpu.vector_load_idx %arg7[%get3A_337] : memref<1008xi32, #tpu.memory_space<vmem>>[vector<16xi32>], vector<16xi32>,
      %sub3A_343 = arith.subi %select_n3A_328, %gather3A_342 : vector<16xi32>
      %max3A_344 = arith.maxsi %sub3A_343, %broadcast_in_dim3A_269 : vector<16xi32>
      %add3A_345 = arith.addi %min3A_321, %select_n3A_341 : vector<16xi32>
      %min3A_346 = arith.minsi %add3A_345, %broadcast_in_dim3A_273 : vector<16xi32>
      %eq3A_347 = arith.cmpi eq, %min3A_346, %broadcast_in_dim3A_273 : vector<16xi32>
      %eq3A_348 = arith.cmpi eq, %min3A_346, %broadcast_in_dim3A_269 : vector<16xi32>
      %eq3A_349 = arith.cmpi eq, %min3A_346, %broadcast_in_dim3A_271 : vector<16xi32>
      %or3A_350 = arith.ori %eq3A_348, %eq3A_349 : vector<16xi1>
      %select_n3A_351 = arith.select %or3A_350, %broadcast_in_dim3A_273, %broadcast_in_dim3A_275 : vector<16xi1>, vector<16xi32>
      %select_n3A_352 = arith.select %eq3A_347, %broadcast_in_dim3A_269, %select_n3A_351 : vector<16xi1>, vector<16xi32>
      %select_n3A_353 = arith.select %eq3A_338, %select_n3A_352, %max3A_344 : vector<16xi1>, vector<16xi32>
      %eq3A_354 = arith.constant 3 : i32
      %eq3A_355 = arith.cmpi eq, %add3A, %eq3A_354 : i32
      %select_n3A_356 = arith.select %eq3A_355, %select_n3A_353, %select_n3A_331 : vector<16xi32>
      %mul3A_357 = arith.constant 16 : i32
      %mul3A_358 = arith.muli %scan3A_267, %mul3A_357 : i32
      %get3A_359 = arith.constant 4 : i32
      %get3A_360 = arith.index_cast %get3A_359 : i32 to index
      %get3A_361 = arith.index_cast %mul3A_358 : i32 to index
      %get3A_362 = tpu.vector_load %arg6[%get3A_360, %get3A_361] {strides = array<i32>} : memref<32x128xi32, #tpu.memory_space<vmem>>, vector<16xi32>,
      %eq3A_363 = arith.cmpi eq, %get3A_362, %broadcast_in_dim3A_275 : vector<16xi32>
      %broadcast_in_dim3A_364 = arith.constant 1 : i32
      %broadcast_in_dim3A_365 = vector.broadcast %broadcast_in_dim3A_364 : i32 to vector<16xi32>
      %select_n3A_366 = arith.select %eq3A_363, %broadcast_in_dim3A_365, %broadcast_in_dim3A_269 : vector<16xi1>, vector<16xi32>
      %gather3A_367 = tpu.vector_load_idx %arg7[%get3A_362] : memref<1008xi32, #tpu.memory_space<vmem>>[vector<16xi32>], vector<16xi32>,
      %sub3A_368 = arith.subi %select_n3A_353, %gather3A_367 : vector<16xi32>
      %max3A_369 = arith.maxsi %sub3A_368, %broadcast_in_dim3A_269 : vector<16xi32>
      %add3A_370 = arith.addi %min3A_346, %select_n3A_366 : vector<16xi32>
      %min3A_371 = arith.minsi %add3A_370, %broadcast_in_dim3A_273 : vector<16xi32>
      %eq3A_372 = arith.cmpi eq, %min3A_371, %broadcast_in_dim3A_273 : vector<16xi32>
      %eq3A_373 = arith.cmpi eq, %min3A_371, %broadcast_in_dim3A_269 : vector<16xi32>
      %eq3A_374 = arith.cmpi eq, %min3A_371, %broadcast_in_dim3A_271 : vector<16xi32>
      %or3A_375 = arith.ori %eq3A_373, %eq3A_374 : vector<16xi1>
      %select_n3A_376 = arith.select %or3A_375, %broadcast_in_dim3A_273, %broadcast_in_dim3A_275 : vector<16xi1>, vector<16xi32>
      %select_n3A_377 = arith.select %eq3A_372, %broadcast_in_dim3A_269, %select_n3A_376 : vector<16xi1>, vector<16xi32>
      %select_n3A_378 = arith.select %eq3A_363, %select_n3A_377, %max3A_369 : vector<16xi1>, vector<16xi32>
      %eq3A_379 = arith.constant 4 : i32
      %eq3A_380 = arith.cmpi eq, %add3A, %eq3A_379 : i32
      %select_n3A_381 = arith.select %eq3A_380, %select_n3A_378, %select_n3A_356 : vector<16xi32>
      %mul3A_382 = arith.constant 16 : i32
      %mul3A_383 = arith.muli %scan3A_267, %mul3A_382 : i32
      %get3A_384 = arith.constant 5 : i32
      %get3A_385 = arith.index_cast %get3A_384 : i32 to index
      %get3A_386 = arith.index_cast %mul3A_383 : i32 to index
      %get3A_387 = tpu.vector_load %arg6[%get3A_385, %get3A_386] {strides = array<i32>} : memref<32x128xi32, #tpu.memory_space<vmem>>, vector<16xi32>,
      %eq3A_388 = arith.cmpi eq, %get3A_387, %broadcast_in_dim3A_275 : vector<16xi32>
      %broadcast_in_dim3A_389 = arith.constant 1 : i32
      %broadcast_in_dim3A_390 = vector.broadcast %broadcast_in_dim3A_389 : i32 to vector<16xi32>
      %select_n3A_391 = arith.select %eq3A_388, %broadcast_in_dim3A_390, %broadcast_in_dim3A_269 : vector<16xi1>, vector<16xi32>
      %gather3A_392 = tpu.vector_load_idx %arg7[%get3A_387] : memref<1008xi32, #tpu.memory_space<vmem>>[vector<16xi32>], vector<16xi32>,
      %sub3A_393 = arith.subi %select_n3A_378, %gather3A_392 : vector<16xi32>
      %max3A_394 = arith.maxsi %sub3A_393, %broadcast_in_dim3A_269 : vector<16xi32>
      %add3A_395 = arith.addi %min3A_371, %select_n3A_391 : vector<16xi32>
      %min3A_396 = arith.minsi %add3A_395, %broadcast_in_dim3A_273 : vector<16xi32>
      %eq3A_397 = arith.cmpi eq, %min3A_396, %broadcast_in_dim3A_273 : vector<16xi32>
      %eq3A_398 = arith.cmpi eq, %min3A_396, %broadcast_in_dim3A_269 : vector<16xi32>
      %eq3A_399 = arith.cmpi eq, %min3A_396, %broadcast_in_dim3A_271 : vector<16xi32>
      %or3A_400 = arith.ori %eq3A_398, %eq3A_399 : vector<16xi1>
      %select_n3A_401 = arith.select %or3A_400, %broadcast_in_dim3A_273, %broadcast_in_dim3A_275 : vector<16xi1>, vector<16xi32>
      %select_n3A_402 = arith.select %eq3A_397, %broadcast_in_dim3A_269, %select_n3A_401 : vector<16xi1>, vector<16xi32>
      %select_n3A_403 = arith.select %eq3A_388, %select_n3A_402, %max3A_394 : vector<16xi1>, vector<16xi32>
      %eq3A_404 = arith.constant 5 : i32
      %eq3A_405 = arith.cmpi eq, %add3A, %eq3A_404 : i32
      %select_n3A_406 = arith.select %eq3A_405, %select_n3A_403, %select_n3A_381 : vector<16xi32>
      %mul3A_407 = arith.constant 16 : i32
      %mul3A_408 = arith.muli %scan3A_267, %mul3A_407 : i32
      %get3A_409 = arith.constant 6 : i32
      %get3A_410 = arith.index_cast %get3A_409 : i32 to index
      %get3A_411 = arith.index_cast %mul3A_408 : i32 to index
      %get3A_412 = tpu.vector_load %arg6[%get3A_410, %get3A_411] {strides = array<i32>} : memref<32x128xi32, #tpu.memory_space<vmem>>, vector<16xi32>,
      %eq3A_413 = arith.cmpi eq, %get3A_412, %broadcast_in_dim3A_275 : vector<16xi32>
      %broadcast_in_dim3A_414 = arith.constant 1 : i32
      %broadcast_in_dim3A_415 = vector.broadcast %broadcast_in_dim3A_414 : i32 to vector<16xi32>
      %select_n3A_416 = arith.select %eq3A_413, %broadcast_in_dim3A_415, %broadcast_in_dim3A_269 : vector<16xi1>, vector<16xi32>
      %gather3A_417 = tpu.vector_load_idx %arg7[%get3A_412] : memref<1008xi32, #tpu.memory_space<vmem>>[vector<16xi32>], vector<16xi32>,
      %sub3A_418 = arith.subi %select_n3A_403, %gather3A_417 : vector<16xi32>
      %max3A_419 = arith.maxsi %sub3A_418, %broadcast_in_dim3A_269 : vector<16xi32>
      %add3A_420 = arith.addi %min3A_396, %select_n3A_416 : vector<16xi32>
      %min3A_421 = arith.minsi %add3A_420, %broadcast_in_dim3A_273 : vector<16xi32>
      %eq3A_422 = arith.cmpi eq, %min3A_421, %broadcast_in_dim3A_273 : vector<16xi32>
      %eq3A_423 = arith.cmpi eq, %min3A_421, %broadcast_in_dim3A_269 : vector<16xi32>
      %eq3A_424 = arith.cmpi eq, %min3A_421, %broadcast_in_dim3A_271 : vector<16xi32>
      %or3A_425 = arith.ori %eq3A_423, %eq3A_424 : vector<16xi1>
      %select_n3A_426 = arith.select %or3A_425, %broadcast_in_dim3A_273, %broadcast_in_dim3A_275 : vector<16xi1>, vector<16xi32>
      %select_n3A_427 = arith.select %eq3A_422, %broadcast_in_dim3A_269, %select_n3A_426 : vector<16xi1>, vector<16xi32>
      %select_n3A_428 = arith.select %eq3A_413, %select_n3A_427, %max3A_419 : vector<16xi1>, vector<16xi32>
      %eq3A_429 = arith.constant 6 : i32
      %eq3A_430 = arith.cmpi eq, %add3A, %eq3A_429 : i32
      %select_n3A_431 = arith.select %eq3A_430, %select_n3A_428, %select_n3A_406 : vector<16xi32>
      %mul3A_432 = arith.constant 16 : i32
      %mul3A_433 = arith.muli %scan3A_267, %mul3A_432 : i32
      %get3A_434 = arith.constant 7 : i32
      %get3A_435 = arith.index_cast %get3A_434 : i32 to index
      %get3A_436 = arith.index_cast %mul3A_433 : i32 to index
      %get3A_437 = tpu.vector_load %arg6[%get3A_435, %get3A_436] {strides = array<i32>} : memref<32x128xi32, #tpu.memory_space<vmem>>, vector<16xi32>,
      %eq3A_438 = arith.cmpi eq, %get3A_437, %broadcast_in_dim3A_275 : vector<16xi32>
      %broadcast_in_dim3A_439 = arith.constant 1 : i32
      %broadcast_in_dim3A_440 = vector.broadcast %broadcast_in_dim3A_439 : i32 to vector<16xi32>
      %select_n3A_441 = arith.select %eq3A_438, %broadcast_in_dim3A_440, %broadcast_in_dim3A_269 : vector<16xi1>, vector<16xi32>
      %gather3A_442 = tpu.vector_load_idx %arg7[%get3A_437] : memref<1008xi32, #tpu.memory_space<vmem>>[vector<16xi32>], vector<16xi32>,
      %sub3A_443 = arith.subi %select_n3A_428, %gather3A_442 : vector<16xi32>
      %max3A_444 = arith.maxsi %sub3A_443, %broadcast_in_dim3A_269 : vector<16xi32>
      %add3A_445 = arith.addi %min3A_421, %select_n3A_441 : vector<16xi32>
      %min3A_446 = arith.minsi %add3A_445, %broadcast_in_dim3A_273 : vector<16xi32>
      %eq3A_447 = arith.cmpi eq, %min3A_446, %broadcast_in_dim3A_273 : vector<16xi32>
      %eq3A_448 = arith.cmpi eq, %min3A_446, %broadcast_in_dim3A_269 : vector<16xi32>
      %eq3A_449 = arith.cmpi eq, %min3A_446, %broadcast_in_dim3A_271 : vector<16xi32>
      %or3A_450 = arith.ori %eq3A_448, %eq3A_449 : vector<16xi1>
      %select_n3A_451 = arith.select %or3A_450, %broadcast_in_dim3A_273, %broadcast_in_dim3A_275 : vector<16xi1>, vector<16xi32>
      %select_n3A_452 = arith.select %eq3A_447, %broadcast_in_dim3A_269, %select_n3A_451 : vector<16xi1>, vector<16xi32>
      %select_n3A_453 = arith.select %eq3A_438, %select_n3A_452, %max3A_444 : vector<16xi1>, vector<16xi32>
      %eq3A_454 = arith.constant 7 : i32
      %eq3A_455 = arith.cmpi eq, %add3A, %eq3A_454 : i32
      %select_n3A_456 = arith.select %eq3A_455, %select_n3A_453, %select_n3A_431 : vector<16xi32>
      %mul3A_457 = arith.constant 16 : i32
      %mul3A_458 = arith.muli %scan3A_267, %mul3A_457 : i32
      %get3A_459 = arith.constant 8 : i32
      %get3A_460 = arith.index_cast %get3A_459 : i32 to index
      %get3A_461 = arith.index_cast %mul3A_458 : i32 to index
      %get3A_462 = tpu.vector_load %arg6[%get3A_460, %get3A_461] {strides = array<i32>} : memref<32x128xi32, #tpu.memory_space<vmem>>, vector<16xi32>,
      %eq3A_463 = arith.cmpi eq, %get3A_462, %broadcast_in_dim3A_275 : vector<16xi32>
      %broadcast_in_dim3A_464 = arith.constant 1 : i32
      %broadcast_in_dim3A_465 = vector.broadcast %broadcast_in_dim3A_464 : i32 to vector<16xi32>
      %select_n3A_466 = arith.select %eq3A_463, %broadcast_in_dim3A_465, %broadcast_in_dim3A_269 : vector<16xi1>, vector<16xi32>
      %gather3A_467 = tpu.vector_load_idx %arg7[%get3A_462] : memref<1008xi32, #tpu.memory_space<vmem>>[vector<16xi32>], vector<16xi32>,
      %sub3A_468 = arith.subi %select_n3A_453, %gather3A_467 : vector<16xi32>
      %max3A_469 = arith.maxsi %sub3A_468, %broadcast_in_dim3A_269 : vector<16xi32>
      %add3A_470 = arith.addi %min3A_446, %select_n3A_466 : vector<16xi32>
      %min3A_471 = arith.minsi %add3A_470, %broadcast_in_dim3A_273 : vector<16xi32>
      %eq3A_472 = arith.cmpi eq, %min3A_471, %broadcast_in_dim3A_273 : vector<16xi32>
      %eq3A_473 = arith.cmpi eq, %min3A_471, %broadcast_in_dim3A_269 : vector<16xi32>
      %eq3A_474 = arith.cmpi eq, %min3A_471, %broadcast_in_dim3A_271 : vector<16xi32>
      %or3A_475 = arith.ori %eq3A_473, %eq3A_474 : vector<16xi1>
      %select_n3A_476 = arith.select %or3A_475, %broadcast_in_dim3A_273, %broadcast_in_dim3A_275 : vector<16xi1>, vector<16xi32>
      %select_n3A_477 = arith.select %eq3A_472, %broadcast_in_dim3A_269, %select_n3A_476 : vector<16xi1>, vector<16xi32>
      %select_n3A_478 = arith.select %eq3A_463, %select_n3A_477, %max3A_469 : vector<16xi1>, vector<16xi32>
      %eq3A_479 = arith.constant 8 : i32
      %eq3A_480 = arith.cmpi eq, %add3A, %eq3A_479 : i32
      %select_n3A_481 = arith.select %eq3A_480, %select_n3A_478, %select_n3A_456 : vector<16xi32>
      %mul3A_482 = arith.constant 16 : i32
      %mul3A_483 = arith.muli %scan3A_267, %mul3A_482 : i32
      %get3A_484 = arith.constant 9 : i32
      %get3A_485 = arith.index_cast %get3A_484 : i32 to index
      %get3A_486 = arith.index_cast %mul3A_483 : i32 to index
      %get3A_487 = tpu.vector_load %arg6[%get3A_485, %get3A_486] {strides = array<i32>} : memref<32x128xi32, #tpu.memory_space<vmem>>, vector<16xi32>,
      %eq3A_488 = arith.cmpi eq, %get3A_487, %broadcast_in_dim3A_275 : vector<16xi32>
      %broadcast_in_dim3A_489 = arith.constant 1 : i32
      %broadcast_in_dim3A_490 = vector.broadcast %broadcast_in_dim3A_489 : i32 to vector<16xi32>
      %select_n3A_491 = arith.select %eq3A_488, %broadcast_in_dim3A_490, %broadcast_in_dim3A_269 : vector<16xi1>, vector<16xi32>
      %gather3A_492 = tpu.vector_load_idx %arg7[%get3A_487] : memref<1008xi32, #tpu.memory_space<vmem>>[vector<16xi32>], vector<16xi32>,
      %sub3A_493 = arith.subi %select_n3A_478, %gather3A_492 : vector<16xi32>
      %max3A_494 = arith.maxsi %sub3A_493, %broadcast_in_dim3A_269 : vector<16xi32>
      %add3A_495 = arith.addi %min3A_471, %select_n3A_491 : vector<16xi32>
      %min3A_496 = arith.minsi %add3A_495, %broadcast_in_dim3A_273 : vector<16xi32>
      %eq3A_497 = arith.cmpi eq, %min3A_496, %broadcast_in_dim3A_273 : vector<16xi32>
      %eq3A_498 = arith.cmpi eq, %min3A_496, %broadcast_in_dim3A_269 : vector<16xi32>
      %eq3A_499 = arith.cmpi eq, %min3A_496, %broadcast_in_dim3A_271 : vector<16xi32>
      %or3A_500 = arith.ori %eq3A_498, %eq3A_499 : vector<16xi1>
      %select_n3A_501 = arith.select %or3A_500, %broadcast_in_dim3A_273, %broadcast_in_dim3A_275 : vector<16xi1>, vector<16xi32>
      %select_n3A_502 = arith.select %eq3A_497, %broadcast_in_dim3A_269, %select_n3A_501 : vector<16xi1>, vector<16xi32>
      %select_n3A_503 = arith.select %eq3A_488, %select_n3A_502, %max3A_494 : vector<16xi1>, vector<16xi32>
      %eq3A_504 = arith.constant 9 : i32
      %eq3A_505 = arith.cmpi eq, %add3A, %eq3A_504 : i32
      %select_n3A_506 = arith.select %eq3A_505, %select_n3A_503, %select_n3A_481 : vector<16xi32>
      %mul3A_507 = arith.constant 16 : i32
      %mul3A_508 = arith.muli %scan3A_267, %mul3A_507 : i32
      %get3A_509 = arith.constant 10 : i32
      %get3A_510 = arith.index_cast %get3A_509 : i32 to index
      %get3A_511 = arith.index_cast %mul3A_508 : i32 to index
      %get3A_512 = tpu.vector_load %arg6[%get3A_510, %get3A_511] {strides = array<i32>} : memref<32x128xi32, #tpu.memory_space<vmem>>, vector<16xi32>,
      %eq3A_513 = arith.cmpi eq, %get3A_512, %broadcast_in_dim3A_275 : vector<16xi32>
      %broadcast_in_dim3A_514 = arith.constant 1 : i32
      %broadcast_in_dim3A_515 = vector.broadcast %broadcast_in_dim3A_514 : i32 to vector<16xi32>
      %select_n3A_516 = arith.select %eq3A_513, %broadcast_in_dim3A_515, %broadcast_in_dim3A_269 : vector<16xi1>, vector<16xi32>
      %gather3A_517 = tpu.vector_load_idx %arg7[%get3A_512] : memref<1008xi32, #tpu.memory_space<vmem>>[vector<16xi32>], vector<16xi32>,
      %sub3A_518 = arith.subi %select_n3A_503, %gather3A_517 : vector<16xi32>
      %max3A_519 = arith.maxsi %sub3A_518, %broadcast_in_dim3A_269 : vector<16xi32>
      %add3A_520 = arith.addi %min3A_496, %select_n3A_516 : vector<16xi32>
      %min3A_521 = arith.minsi %add3A_520, %broadcast_in_dim3A_273 : vector<16xi32>
      %eq3A_522 = arith.cmpi eq, %min3A_521, %broadcast_in_dim3A_273 : vector<16xi32>
      %eq3A_523 = arith.cmpi eq, %min3A_521, %broadcast_in_dim3A_269 : vector<16xi32>
      %eq3A_524 = arith.cmpi eq, %min3A_521, %broadcast_in_dim3A_271 : vector<16xi32>
      %or3A_525 = arith.ori %eq3A_523, %eq3A_524 : vector<16xi1>
      %select_n3A_526 = arith.select %or3A_525, %broadcast_in_dim3A_273, %broadcast_in_dim3A_275 : vector<16xi1>, vector<16xi32>
      %select_n3A_527 = arith.select %eq3A_522, %broadcast_in_dim3A_269, %select_n3A_526 : vector<16xi1>, vector<16xi32>
      %select_n3A_528 = arith.select %eq3A_513, %select_n3A_527, %max3A_519 : vector<16xi1>, vector<16xi32>
      %eq3A_529 = arith.constant 10 : i32
      %eq3A_530 = arith.cmpi eq, %add3A, %eq3A_529 : i32
      %select_n3A_531 = arith.select %eq3A_530, %select_n3A_528, %select_n3A_506 : vector<16xi32>
      %mul3A_532 = arith.constant 16 : i32
      %mul3A_533 = arith.muli %scan3A_267, %mul3A_532 : i32
      %get3A_534 = arith.constant 11 : i32
      %get3A_535 = arith.index_cast %get3A_534 : i32 to index
      %get3A_536 = arith.index_cast %mul3A_533 : i32 to index
      %get3A_537 = tpu.vector_load %arg6[%get3A_535, %get3A_536] {strides = array<i32>} : memref<32x128xi32, #tpu.memory_space<vmem>>, vector<16xi32>,
      %eq3A_538 = arith.cmpi eq, %get3A_537, %broadcast_in_dim3A_275 : vector<16xi32>
      %broadcast_in_dim3A_539 = arith.constant 1 : i32
      %broadcast_in_dim3A_540 = vector.broadcast %broadcast_in_dim3A_539 : i32 to vector<16xi32>
      %select_n3A_541 = arith.select %eq3A_538, %broadcast_in_dim3A_540, %broadcast_in_dim3A_269 : vector<16xi1>, vector<16xi32>
      %gather3A_542 = tpu.vector_load_idx %arg7[%get3A_537] : memref<1008xi32, #tpu.memory_space<vmem>>[vector<16xi32>], vector<16xi32>,
      %sub3A_543 = arith.subi %select_n3A_528, %gather3A_542 : vector<16xi32>
      %max3A_544 = arith.maxsi %sub3A_543, %broadcast_in_dim3A_269 : vector<16xi32>
      %add3A_545 = arith.addi %min3A_521, %select_n3A_541 : vector<16xi32>
      %min3A_546 = arith.minsi %add3A_545, %broadcast_in_dim3A_273 : vector<16xi32>
      %eq3A_547 = arith.cmpi eq, %min3A_546, %broadcast_in_dim3A_273 : vector<16xi32>
      %eq3A_548 = arith.cmpi eq, %min3A_546, %broadcast_in_dim3A_269 : vector<16xi32>
      %eq3A_549 = arith.cmpi eq, %min3A_546, %broadcast_in_dim3A_271 : vector<16xi32>
      %or3A_550 = arith.ori %eq3A_548, %eq3A_549 : vector<16xi1>
      %select_n3A_551 = arith.select %or3A_550, %broadcast_in_dim3A_273, %broadcast_in_dim3A_275 : vector<16xi1>, vector<16xi32>
      %select_n3A_552 = arith.select %eq3A_547, %broadcast_in_dim3A_269, %select_n3A_551 : vector<16xi1>, vector<16xi32>
      %select_n3A_553 = arith.select %eq3A_538, %select_n3A_552, %max3A_544 : vector<16xi1>, vector<16xi32>
      %eq3A_554 = arith.constant 11 : i32
      %eq3A_555 = arith.cmpi eq, %add3A, %eq3A_554 : i32
      %select_n3A_556 = arith.select %eq3A_555, %select_n3A_553, %select_n3A_531 : vector<16xi32>
      %mul3A_557 = arith.constant 16 : i32
      %mul3A_558 = arith.muli %scan3A_267, %mul3A_557 : i32
      %get3A_559 = arith.constant 12 : i32
      %get3A_560 = arith.index_cast %get3A_559 : i32 to index
      %get3A_561 = arith.index_cast %mul3A_558 : i32 to index
      %get3A_562 = tpu.vector_load %arg6[%get3A_560, %get3A_561] {strides = array<i32>} : memref<32x128xi32, #tpu.memory_space<vmem>>, vector<16xi32>,
      %eq3A_563 = arith.cmpi eq, %get3A_562, %broadcast_in_dim3A_275 : vector<16xi32>
      %broadcast_in_dim3A_564 = arith.constant 1 : i32
      %broadcast_in_dim3A_565 = vector.broadcast %broadcast_in_dim3A_564 : i32 to vector<16xi32>
      %select_n3A_566 = arith.select %eq3A_563, %broadcast_in_dim3A_565, %broadcast_in_dim3A_269 : vector<16xi1>, vector<16xi32>
      %gather3A_567 = tpu.vector_load_idx %arg7[%get3A_562] : memref<1008xi32, #tpu.memory_space<vmem>>[vector<16xi32>], vector<16xi32>,
      %sub3A_568 = arith.subi %select_n3A_553, %gather3A_567 : vector<16xi32>
      %max3A_569 = arith.maxsi %sub3A_568, %broadcast_in_dim3A_269 : vector<16xi32>
      %add3A_570 = arith.addi %min3A_546, %select_n3A_566 : vector<16xi32>
      %min3A_571 = arith.minsi %add3A_570, %broadcast_in_dim3A_273 : vector<16xi32>
      %eq3A_572 = arith.cmpi eq, %min3A_571, %broadcast_in_dim3A_273 : vector<16xi32>
      %eq3A_573 = arith.cmpi eq, %min3A_571, %broadcast_in_dim3A_269 : vector<16xi32>
      %eq3A_574 = arith.cmpi eq, %min3A_571, %broadcast_in_dim3A_271 : vector<16xi32>
      %or3A_575 = arith.ori %eq3A_573, %eq3A_574 : vector<16xi1>
      %select_n3A_576 = arith.select %or3A_575, %broadcast_in_dim3A_273, %broadcast_in_dim3A_275 : vector<16xi1>, vector<16xi32>
      %select_n3A_577 = arith.select %eq3A_572, %broadcast_in_dim3A_269, %select_n3A_576 : vector<16xi1>, vector<16xi32>
      %select_n3A_578 = arith.select %eq3A_563, %select_n3A_577, %max3A_569 : vector<16xi1>, vector<16xi32>
      %eq3A_579 = arith.constant 12 : i32
      %eq3A_580 = arith.cmpi eq, %add3A, %eq3A_579 : i32
      %select_n3A_581 = arith.select %eq3A_580, %select_n3A_578, %select_n3A_556 : vector<16xi32>
      %mul3A_582 = arith.constant 16 : i32
      %mul3A_583 = arith.muli %scan3A_267, %mul3A_582 : i32
      %get3A_584 = arith.constant 13 : i32
      %get3A_585 = arith.index_cast %get3A_584 : i32 to index
      %get3A_586 = arith.index_cast %mul3A_583 : i32 to index
      %get3A_587 = tpu.vector_load %arg6[%get3A_585, %get3A_586] {strides = array<i32>} : memref<32x128xi32, #tpu.memory_space<vmem>>, vector<16xi32>,
      %eq3A_588 = arith.cmpi eq, %get3A_587, %broadcast_in_dim3A_275 : vector<16xi32>
      %broadcast_in_dim3A_589 = arith.constant 1 : i32
      %broadcast_in_dim3A_590 = vector.broadcast %broadcast_in_dim3A_589 : i32 to vector<16xi32>
      %select_n3A_591 = arith.select %eq3A_588, %broadcast_in_dim3A_590, %broadcast_in_dim3A_269 : vector<16xi1>, vector<16xi32>
      %gather3A_592 = tpu.vector_load_idx %arg7[%get3A_587] : memref<1008xi32, #tpu.memory_space<vmem>>[vector<16xi32>], vector<16xi32>,
      %sub3A_593 = arith.subi %select_n3A_578, %gather3A_592 : vector<16xi32>
      %max3A_594 = arith.maxsi %sub3A_593, %broadcast_in_dim3A_269 : vector<16xi32>
      %add3A_595 = arith.addi %min3A_571, %select_n3A_591 : vector<16xi32>
      %min3A_596 = arith.minsi %add3A_595, %broadcast_in_dim3A_273 : vector<16xi32>
      %eq3A_597 = arith.cmpi eq, %min3A_596, %broadcast_in_dim3A_273 : vector<16xi32>
      %eq3A_598 = arith.cmpi eq, %min3A_596, %broadcast_in_dim3A_269 : vector<16xi32>
      %eq3A_599 = arith.cmpi eq, %min3A_596, %broadcast_in_dim3A_271 : vector<16xi32>
      %or3A_600 = arith.ori %eq3A_598, %eq3A_599 : vector<16xi1>
      %select_n3A_601 = arith.select %or3A_600, %broadcast_in_dim3A_273, %broadcast_in_dim3A_275 : vector<16xi1>, vector<16xi32>
      %select_n3A_602 = arith.select %eq3A_597, %broadcast_in_dim3A_269, %select_n3A_601 : vector<16xi1>, vector<16xi32>
      %select_n3A_603 = arith.select %eq3A_588, %select_n3A_602, %max3A_594 : vector<16xi1>, vector<16xi32>
      %eq3A_604 = arith.constant 13 : i32
      %eq3A_605 = arith.cmpi eq, %add3A, %eq3A_604 : i32
      %select_n3A_606 = arith.select %eq3A_605, %select_n3A_603, %select_n3A_581 : vector<16xi32>
      %mul3A_607 = arith.constant 16 : i32
      %mul3A_608 = arith.muli %scan3A_267, %mul3A_607 : i32
      %get3A_609 = arith.constant 14 : i32
      %get3A_610 = arith.index_cast %get3A_609 : i32 to index
      %get3A_611 = arith.index_cast %mul3A_608 : i32 to index
      %get3A_612 = tpu.vector_load %arg6[%get3A_610, %get3A_611] {strides = array<i32>} : memref<32x128xi32, #tpu.memory_space<vmem>>, vector<16xi32>,
      %eq3A_613 = arith.cmpi eq, %get3A_612, %broadcast_in_dim3A_275 : vector<16xi32>
      %broadcast_in_dim3A_614 = arith.constant 1 : i32
      %broadcast_in_dim3A_615 = vector.broadcast %broadcast_in_dim3A_614 : i32 to vector<16xi32>
      %select_n3A_616 = arith.select %eq3A_613, %broadcast_in_dim3A_615, %broadcast_in_dim3A_269 : vector<16xi1>, vector<16xi32>
      %gather3A_617 = tpu.vector_load_idx %arg7[%get3A_612] : memref<1008xi32, #tpu.memory_space<vmem>>[vector<16xi32>], vector<16xi32>,
      %sub3A_618 = arith.subi %select_n3A_603, %gather3A_617 : vector<16xi32>
      %max3A_619 = arith.maxsi %sub3A_618, %broadcast_in_dim3A_269 : vector<16xi32>
      %add3A_620 = arith.addi %min3A_596, %select_n3A_616 : vector<16xi32>
      %min3A_621 = arith.minsi %add3A_620, %broadcast_in_dim3A_273 : vector<16xi32>
      %eq3A_622 = arith.cmpi eq, %min3A_621, %broadcast_in_dim3A_273 : vector<16xi32>
      %eq3A_623 = arith.cmpi eq, %min3A_621, %broadcast_in_dim3A_269 : vector<16xi32>
      %eq3A_624 = arith.cmpi eq, %min3A_621, %broadcast_in_dim3A_271 : vector<16xi32>
      %or3A_625 = arith.ori %eq3A_623, %eq3A_624 : vector<16xi1>
      %select_n3A_626 = arith.select %or3A_625, %broadcast_in_dim3A_273, %broadcast_in_dim3A_275 : vector<16xi1>, vector<16xi32>
      %select_n3A_627 = arith.select %eq3A_622, %broadcast_in_dim3A_269, %select_n3A_626 : vector<16xi1>, vector<16xi32>
      %select_n3A_628 = arith.select %eq3A_613, %select_n3A_627, %max3A_619 : vector<16xi1>, vector<16xi32>
      %eq3A_629 = arith.constant 14 : i32
      %eq3A_630 = arith.cmpi eq, %add3A, %eq3A_629 : i32
      %select_n3A_631 = arith.select %eq3A_630, %select_n3A_628, %select_n3A_606 : vector<16xi32>
      %mul3A_632 = arith.constant 16 : i32
      %mul3A_633 = arith.muli %scan3A_267, %mul3A_632 : i32
      %get3A_634 = arith.constant 15 : i32
      %get3A_635 = arith.index_cast %get3A_634 : i32 to index
      %get3A_636 = arith.index_cast %mul3A_633 : i32 to index
      %get3A_637 = tpu.vector_load %arg6[%get3A_635, %get3A_636] {strides = array<i32>} : memref<32x128xi32, #tpu.memory_space<vmem>>, vector<16xi32>,
      %eq3A_638 = arith.cmpi eq, %get3A_637, %broadcast_in_dim3A_275 : vector<16xi32>
      %broadcast_in_dim3A_639 = arith.constant 1 : i32
      %broadcast_in_dim3A_640 = vector.broadcast %broadcast_in_dim3A_639 : i32 to vector<16xi32>
      %select_n3A_641 = arith.select %eq3A_638, %broadcast_in_dim3A_640, %broadcast_in_dim3A_269 : vector<16xi1>, vector<16xi32>
      %gather3A_642 = tpu.vector_load_idx %arg7[%get3A_637] : memref<1008xi32, #tpu.memory_space<vmem>>[vector<16xi32>], vector<16xi32>,
      %sub3A_643 = arith.subi %select_n3A_628, %gather3A_642 : vector<16xi32>
      %max3A_644 = arith.maxsi %sub3A_643, %broadcast_in_dim3A_269 : vector<16xi32>
      %add3A_645 = arith.addi %min3A_621, %select_n3A_641 : vector<16xi32>
      %min3A_646 = arith.minsi %add3A_645, %broadcast_in_dim3A_273 : vector<16xi32>
      %eq3A_647 = arith.cmpi eq, %min3A_646, %broadcast_in_dim3A_273 : vector<16xi32>
      %eq3A_648 = arith.cmpi eq, %min3A_646, %broadcast_in_dim3A_269 : vector<16xi32>
      %eq3A_649 = arith.cmpi eq, %min3A_646, %broadcast_in_dim3A_271 : vector<16xi32>
      %or3A_650 = arith.ori %eq3A_648, %eq3A_649 : vector<16xi1>
      %select_n3A_651 = arith.select %or3A_650, %broadcast_in_dim3A_273, %broadcast_in_dim3A_275 : vector<16xi1>, vector<16xi32>
      %select_n3A_652 = arith.select %eq3A_647, %broadcast_in_dim3A_269, %select_n3A_651 : vector<16xi1>, vector<16xi32>
      %select_n3A_653 = arith.select %eq3A_638, %select_n3A_652, %max3A_644 : vector<16xi1>, vector<16xi32>
      %eq3A_654 = arith.constant 15 : i32
      %eq3A_655 = arith.cmpi eq, %add3A, %eq3A_654 : i32
      %select_n3A_656 = arith.select %eq3A_655, %select_n3A_653, %select_n3A_631 : vector<16xi32>
      %mul3A_657 = arith.constant 16 : i32
      %mul3A_658 = arith.muli %scan3A_267, %mul3A_657 : i32
      %get3A_659 = arith.constant 16 : i32
      %get3A_660 = arith.index_cast %get3A_659 : i32 to index
      %get3A_661 = arith.index_cast %mul3A_658 : i32 to index
      %get3A_662 = tpu.vector_load %arg6[%get3A_660, %get3A_661] {strides = array<i32>} : memref<32x128xi32, #tpu.memory_space<vmem>>, vector<16xi32>,
      %eq3A_663 = arith.cmpi eq, %get3A_662, %broadcast_in_dim3A_275 : vector<16xi32>
      %broadcast_in_dim3A_664 = arith.constant 1 : i32
      %broadcast_in_dim3A_665 = vector.broadcast %broadcast_in_dim3A_664 : i32 to vector<16xi32>
      %select_n3A_666 = arith.select %eq3A_663, %broadcast_in_dim3A_665, %broadcast_in_dim3A_269 : vector<16xi1>, vector<16xi32>
      %gather3A_667 = tpu.vector_load_idx %arg7[%get3A_662] : memref<1008xi32, #tpu.memory_space<vmem>>[vector<16xi32>], vector<16xi32>,
      %sub3A_668 = arith.subi %select_n3A_653, %gather3A_667 : vector<16xi32>
      %max3A_669 = arith.maxsi %sub3A_668, %broadcast_in_dim3A_269 : vector<16xi32>
      %add3A_670 = arith.addi %min3A_646, %select_n3A_666 : vector<16xi32>
      %min3A_671 = arith.minsi %add3A_670, %broadcast_in_dim3A_273 : vector<16xi32>
      %eq3A_672 = arith.cmpi eq, %min3A_671, %broadcast_in_dim3A_273 : vector<16xi32>
      %eq3A_673 = arith.cmpi eq, %min3A_671, %broadcast_in_dim3A_269 : vector<16xi32>
      %eq3A_674 = arith.cmpi eq, %min3A_671, %broadcast_in_dim3A_271 : vector<16xi32>
      %or3A_675 = arith.ori %eq3A_673, %eq3A_674 : vector<16xi1>
      %select_n3A_676 = arith.select %or3A_675, %broadcast_in_dim3A_273, %broadcast_in_dim3A_275 : vector<16xi1>, vector<16xi32>
      %select_n3A_677 = arith.select %eq3A_672, %broadcast_in_dim3A_269, %select_n3A_676 : vector<16xi1>, vector<16xi32>
      %select_n3A_678 = arith.select %eq3A_663, %select_n3A_677, %max3A_669 : vector<16xi1>, vector<16xi32>
      %eq3A_679 = arith.constant 16 : i32
      %eq3A_680 = arith.cmpi eq, %add3A, %eq3A_679 : i32
      %select_n3A_681 = arith.select %eq3A_680, %select_n3A_678, %select_n3A_656 : vector<16xi32>
      %mul3A_682 = arith.constant 16 : i32
      %mul3A_683 = arith.muli %scan3A_267, %mul3A_682 : i32
      %get3A_684 = arith.constant 17 : i32
      %get3A_685 = arith.index_cast %get3A_684 : i32 to index
      %get3A_686 = arith.index_cast %mul3A_683 : i32 to index
      %get3A_687 = tpu.vector_load %arg6[%get3A_685, %get3A_686] {strides = array<i32>} : memref<32x128xi32, #tpu.memory_space<vmem>>, vector<16xi32>,
      %eq3A_688 = arith.cmpi eq, %get3A_687, %broadcast_in_dim3A_275 : vector<16xi32>
      %broadcast_in_dim3A_689 = arith.constant 1 : i32
      %broadcast_in_dim3A_690 = vector.broadcast %broadcast_in_dim3A_689 : i32 to vector<16xi32>
      %select_n3A_691 = arith.select %eq3A_688, %broadcast_in_dim3A_690, %broadcast_in_dim3A_269 : vector<16xi1>, vector<16xi32>
      %gather3A_692 = tpu.vector_load_idx %arg7[%get3A_687] : memref<1008xi32, #tpu.memory_space<vmem>>[vector<16xi32>], vector<16xi32>,
      %sub3A_693 = arith.subi %select_n3A_678, %gather3A_692 : vector<16xi32>
      %max3A_694 = arith.maxsi %sub3A_693, %broadcast_in_dim3A_269 : vector<16xi32>
      %add3A_695 = arith.addi %min3A_671, %select_n3A_691 : vector<16xi32>
      %min3A_696 = arith.minsi %add3A_695, %broadcast_in_dim3A_273 : vector<16xi32>
      %eq3A_697 = arith.cmpi eq, %min3A_696, %broadcast_in_dim3A_273 : vector<16xi32>
      %eq3A_698 = arith.cmpi eq, %min3A_696, %broadcast_in_dim3A_269 : vector<16xi32>
      %eq3A_699 = arith.cmpi eq, %min3A_696, %broadcast_in_dim3A_271 : vector<16xi32>
      %or3A_700 = arith.ori %eq3A_698, %eq3A_699 : vector<16xi1>
      %select_n3A_701 = arith.select %or3A_700, %broadcast_in_dim3A_273, %broadcast_in_dim3A_275 : vector<16xi1>, vector<16xi32>
      %select_n3A_702 = arith.select %eq3A_697, %broadcast_in_dim3A_269, %select_n3A_701 : vector<16xi1>, vector<16xi32>
      %select_n3A_703 = arith.select %eq3A_688, %select_n3A_702, %max3A_694 : vector<16xi1>, vector<16xi32>
      %eq3A_704 = arith.constant 17 : i32
      %eq3A_705 = arith.cmpi eq, %add3A, %eq3A_704 : i32
      %select_n3A_706 = arith.select %eq3A_705, %select_n3A_703, %select_n3A_681 : vector<16xi32>
      %mul3A_707 = arith.constant 16 : i32
      %mul3A_708 = arith.muli %scan3A_267, %mul3A_707 : i32
      %get3A_709 = arith.constant 18 : i32
      %get3A_710 = arith.index_cast %get3A_709 : i32 to index
      %get3A_711 = arith.index_cast %mul3A_708 : i32 to index
      %get3A_712 = tpu.vector_load %arg6[%get3A_710, %get3A_711] {strides = array<i32>} : memref<32x128xi32, #tpu.memory_space<vmem>>, vector<16xi32>,
      %eq3A_713 = arith.cmpi eq, %get3A_712, %broadcast_in_dim3A_275 : vector<16xi32>
      %broadcast_in_dim3A_714 = arith.constant 1 : i32
      %broadcast_in_dim3A_715 = vector.broadcast %broadcast_in_dim3A_714 : i32 to vector<16xi32>
      %select_n3A_716 = arith.select %eq3A_713, %broadcast_in_dim3A_715, %broadcast_in_dim3A_269 : vector<16xi1>, vector<16xi32>
      %gather3A_717 = tpu.vector_load_idx %arg7[%get3A_712] : memref<1008xi32, #tpu.memory_space<vmem>>[vector<16xi32>], vector<16xi32>,
      %sub3A_718 = arith.subi %select_n3A_703, %gather3A_717 : vector<16xi32>
      %max3A_719 = arith.maxsi %sub3A_718, %broadcast_in_dim3A_269 : vector<16xi32>
      %add3A_720 = arith.addi %min3A_696, %select_n3A_716 : vector<16xi32>
      %min3A_721 = arith.minsi %add3A_720, %broadcast_in_dim3A_273 : vector<16xi32>
      %eq3A_722 = arith.cmpi eq, %min3A_721, %broadcast_in_dim3A_273 : vector<16xi32>
      %eq3A_723 = arith.cmpi eq, %min3A_721, %broadcast_in_dim3A_269 : vector<16xi32>
      %eq3A_724 = arith.cmpi eq, %min3A_721, %broadcast_in_dim3A_271 : vector<16xi32>
      %or3A_725 = arith.ori %eq3A_723, %eq3A_724 : vector<16xi1>
      %select_n3A_726 = arith.select %or3A_725, %broadcast_in_dim3A_273, %broadcast_in_dim3A_275 : vector<16xi1>, vector<16xi32>
      %select_n3A_727 = arith.select %eq3A_722, %broadcast_in_dim3A_269, %select_n3A_726 : vector<16xi1>, vector<16xi32>
      %select_n3A_728 = arith.select %eq3A_713, %select_n3A_727, %max3A_719 : vector<16xi1>, vector<16xi32>
      %eq3A_729 = arith.constant 18 : i32
      %eq3A_730 = arith.cmpi eq, %add3A, %eq3A_729 : i32
      %select_n3A_731 = arith.select %eq3A_730, %select_n3A_728, %select_n3A_706 : vector<16xi32>
      %mul3A_732 = arith.constant 16 : i32
      %mul3A_733 = arith.muli %scan3A_267, %mul3A_732 : i32
      %get3A_734 = arith.constant 19 : i32
      %get3A_735 = arith.index_cast %get3A_734 : i32 to index
      %get3A_736 = arith.index_cast %mul3A_733 : i32 to index
      %get3A_737 = tpu.vector_load %arg6[%get3A_735, %get3A_736] {strides = array<i32>} : memref<32x128xi32, #tpu.memory_space<vmem>>, vector<16xi32>,
      %eq3A_738 = arith.cmpi eq, %get3A_737, %broadcast_in_dim3A_275 : vector<16xi32>
      %broadcast_in_dim3A_739 = arith.constant 1 : i32
      %broadcast_in_dim3A_740 = vector.broadcast %broadcast_in_dim3A_739 : i32 to vector<16xi32>
      %select_n3A_741 = arith.select %eq3A_738, %broadcast_in_dim3A_740, %broadcast_in_dim3A_269 : vector<16xi1>, vector<16xi32>
      %gather3A_742 = tpu.vector_load_idx %arg7[%get3A_737] : memref<1008xi32, #tpu.memory_space<vmem>>[vector<16xi32>], vector<16xi32>,
      %sub3A_743 = arith.subi %select_n3A_728, %gather3A_742 : vector<16xi32>
      %max3A_744 = arith.maxsi %sub3A_743, %broadcast_in_dim3A_269 : vector<16xi32>
      %add3A_745 = arith.addi %min3A_721, %select_n3A_741 : vector<16xi32>
      %min3A_746 = arith.minsi %add3A_745, %broadcast_in_dim3A_273 : vector<16xi32>
      %eq3A_747 = arith.cmpi eq, %min3A_746, %broadcast_in_dim3A_273 : vector<16xi32>
      %eq3A_748 = arith.cmpi eq, %min3A_746, %broadcast_in_dim3A_269 : vector<16xi32>
      %eq3A_749 = arith.cmpi eq, %min3A_746, %broadcast_in_dim3A_271 : vector<16xi32>
      %or3A_750 = arith.ori %eq3A_748, %eq3A_749 : vector<16xi1>
      %select_n3A_751 = arith.select %or3A_750, %broadcast_in_dim3A_273, %broadcast_in_dim3A_275 : vector<16xi1>, vector<16xi32>
      %select_n3A_752 = arith.select %eq3A_747, %broadcast_in_dim3A_269, %select_n3A_751 : vector<16xi1>, vector<16xi32>
      %select_n3A_753 = arith.select %eq3A_738, %select_n3A_752, %max3A_744 : vector<16xi1>, vector<16xi32>
      %eq3A_754 = arith.constant 19 : i32
      %eq3A_755 = arith.cmpi eq, %add3A, %eq3A_754 : i32
      %select_n3A_756 = arith.select %eq3A_755, %select_n3A_753, %select_n3A_731 : vector<16xi32>
      %mul3A_757 = arith.constant 16 : i32
      %mul3A_758 = arith.muli %scan3A_267, %mul3A_757 : i32
      %get3A_759 = arith.constant 20 : i32
      %get3A_760 = arith.index_cast %get3A_759 : i32 to index
      %get3A_761 = arith.index_cast %mul3A_758 : i32 to index
      %get3A_762 = tpu.vector_load %arg6[%get3A_760, %get3A_761] {strides = array<i32>} : memref<32x128xi32, #tpu.memory_space<vmem>>, vector<16xi32>,
      %eq3A_763 = arith.cmpi eq, %get3A_762, %broadcast_in_dim3A_275 : vector<16xi32>
      %broadcast_in_dim3A_764 = arith.constant 1 : i32
      %broadcast_in_dim3A_765 = vector.broadcast %broadcast_in_dim3A_764 : i32 to vector<16xi32>
      %select_n3A_766 = arith.select %eq3A_763, %broadcast_in_dim3A_765, %broadcast_in_dim3A_269 : vector<16xi1>, vector<16xi32>
      %gather3A_767 = tpu.vector_load_idx %arg7[%get3A_762] : memref<1008xi32, #tpu.memory_space<vmem>>[vector<16xi32>], vector<16xi32>,
      %sub3A_768 = arith.subi %select_n3A_753, %gather3A_767 : vector<16xi32>
      %max3A_769 = arith.maxsi %sub3A_768, %broadcast_in_dim3A_269 : vector<16xi32>
      %add3A_770 = arith.addi %min3A_746, %select_n3A_766 : vector<16xi32>
      %min3A_771 = arith.minsi %add3A_770, %broadcast_in_dim3A_273 : vector<16xi32>
      %eq3A_772 = arith.cmpi eq, %min3A_771, %broadcast_in_dim3A_273 : vector<16xi32>
      %eq3A_773 = arith.cmpi eq, %min3A_771, %broadcast_in_dim3A_269 : vector<16xi32>
      %eq3A_774 = arith.cmpi eq, %min3A_771, %broadcast_in_dim3A_271 : vector<16xi32>
      %or3A_775 = arith.ori %eq3A_773, %eq3A_774 : vector<16xi1>
      %select_n3A_776 = arith.select %or3A_775, %broadcast_in_dim3A_273, %broadcast_in_dim3A_275 : vector<16xi1>, vector<16xi32>
      %select_n3A_777 = arith.select %eq3A_772, %broadcast_in_dim3A_269, %select_n3A_776 : vector<16xi1>, vector<16xi32>
      %select_n3A_778 = arith.select %eq3A_763, %select_n3A_777, %max3A_769 : vector<16xi1>, vector<16xi32>
      %eq3A_779 = arith.constant 20 : i32
      %eq3A_780 = arith.cmpi eq, %add3A, %eq3A_779 : i32
      %select_n3A_781 = arith.select %eq3A_780, %select_n3A_778, %select_n3A_756 : vector<16xi32>
      %mul3A_782 = arith.constant 16 : i32
      %mul3A_783 = arith.muli %scan3A_267, %mul3A_782 : i32
      %get3A_784 = arith.constant 21 : i32
      %get3A_785 = arith.index_cast %get3A_784 : i32 to index
      %get3A_786 = arith.index_cast %mul3A_783 : i32 to index
      %get3A_787 = tpu.vector_load %arg6[%get3A_785, %get3A_786] {strides = array<i32>} : memref<32x128xi32, #tpu.memory_space<vmem>>, vector<16xi32>,
      %eq3A_788 = arith.cmpi eq, %get3A_787, %broadcast_in_dim3A_275 : vector<16xi32>
      %broadcast_in_dim3A_789 = arith.constant 1 : i32
      %broadcast_in_dim3A_790 = vector.broadcast %broadcast_in_dim3A_789 : i32 to vector<16xi32>
      %select_n3A_791 = arith.select %eq3A_788, %broadcast_in_dim3A_790, %broadcast_in_dim3A_269 : vector<16xi1>, vector<16xi32>
      %gather3A_792 = tpu.vector_load_idx %arg7[%get3A_787] : memref<1008xi32, #tpu.memory_space<vmem>>[vector<16xi32>], vector<16xi32>,
      %sub3A_793 = arith.subi %select_n3A_778, %gather3A_792 : vector<16xi32>
      %max3A_794 = arith.maxsi %sub3A_793, %broadcast_in_dim3A_269 : vector<16xi32>
      %add3A_795 = arith.addi %min3A_771, %select_n3A_791 : vector<16xi32>
      %min3A_796 = arith.minsi %add3A_795, %broadcast_in_dim3A_273 : vector<16xi32>
      %eq3A_797 = arith.cmpi eq, %min3A_796, %broadcast_in_dim3A_273 : vector<16xi32>
      %eq3A_798 = arith.cmpi eq, %min3A_796, %broadcast_in_dim3A_269 : vector<16xi32>
      %eq3A_799 = arith.cmpi eq, %min3A_796, %broadcast_in_dim3A_271 : vector<16xi32>
      %or3A_800 = arith.ori %eq3A_798, %eq3A_799 : vector<16xi1>
      %select_n3A_801 = arith.select %or3A_800, %broadcast_in_dim3A_273, %broadcast_in_dim3A_275 : vector<16xi1>, vector<16xi32>
      %select_n3A_802 = arith.select %eq3A_797, %broadcast_in_dim3A_269, %select_n3A_801 : vector<16xi1>, vector<16xi32>
      %select_n3A_803 = arith.select %eq3A_788, %select_n3A_802, %max3A_794 : vector<16xi1>, vector<16xi32>
      %eq3A_804 = arith.constant 21 : i32
      %eq3A_805 = arith.cmpi eq, %add3A, %eq3A_804 : i32
      %select_n3A_806 = arith.select %eq3A_805, %select_n3A_803, %select_n3A_781 : vector<16xi32>
      %mul3A_807 = arith.constant 16 : i32
      %mul3A_808 = arith.muli %scan3A_267, %mul3A_807 : i32
      %get3A_809 = arith.constant 22 : i32
      %get3A_810 = arith.index_cast %get3A_809 : i32 to index
      %get3A_811 = arith.index_cast %mul3A_808 : i32 to index
      %get3A_812 = tpu.vector_load %arg6[%get3A_810, %get3A_811] {strides = array<i32>} : memref<32x128xi32, #tpu.memory_space<vmem>>, vector<16xi32>,
      %eq3A_813 = arith.cmpi eq, %get3A_812, %broadcast_in_dim3A_275 : vector<16xi32>
      %broadcast_in_dim3A_814 = arith.constant 1 : i32
      %broadcast_in_dim3A_815 = vector.broadcast %broadcast_in_dim3A_814 : i32 to vector<16xi32>
      %select_n3A_816 = arith.select %eq3A_813, %broadcast_in_dim3A_815, %broadcast_in_dim3A_269 : vector<16xi1>, vector<16xi32>
      %gather3A_817 = tpu.vector_load_idx %arg7[%get3A_812] : memref<1008xi32, #tpu.memory_space<vmem>>[vector<16xi32>], vector<16xi32>,
      %sub3A_818 = arith.subi %select_n3A_803, %gather3A_817 : vector<16xi32>
      %max3A_819 = arith.maxsi %sub3A_818, %broadcast_in_dim3A_269 : vector<16xi32>
      %add3A_820 = arith.addi %min3A_796, %select_n3A_816 : vector<16xi32>
      %min3A_821 = arith.minsi %add3A_820, %broadcast_in_dim3A_273 : vector<16xi32>
      %eq3A_822 = arith.cmpi eq, %min3A_821, %broadcast_in_dim3A_273 : vector<16xi32>
      %eq3A_823 = arith.cmpi eq, %min3A_821, %broadcast_in_dim3A_269 : vector<16xi32>
      %eq3A_824 = arith.cmpi eq, %min3A_821, %broadcast_in_dim3A_271 : vector<16xi32>
      %or3A_825 = arith.ori %eq3A_823, %eq3A_824 : vector<16xi1>
      %select_n3A_826 = arith.select %or3A_825, %broadcast_in_dim3A_273, %broadcast_in_dim3A_275 : vector<16xi1>, vector<16xi32>
      %select_n3A_827 = arith.select %eq3A_822, %broadcast_in_dim3A_269, %select_n3A_826 : vector<16xi1>, vector<16xi32>
      %select_n3A_828 = arith.select %eq3A_813, %select_n3A_827, %max3A_819 : vector<16xi1>, vector<16xi32>
      %eq3A_829 = arith.constant 22 : i32
      %eq3A_830 = arith.cmpi eq, %add3A, %eq3A_829 : i32
      %select_n3A_831 = arith.select %eq3A_830, %select_n3A_828, %select_n3A_806 : vector<16xi32>
      %mul3A_832 = arith.constant 16 : i32
      %mul3A_833 = arith.muli %scan3A_267, %mul3A_832 : i32
      %get3A_834 = arith.constant 23 : i32
      %get3A_835 = arith.index_cast %get3A_834 : i32 to index
      %get3A_836 = arith.index_cast %mul3A_833 : i32 to index
      %get3A_837 = tpu.vector_load %arg6[%get3A_835, %get3A_836] {strides = array<i32>} : memref<32x128xi32, #tpu.memory_space<vmem>>, vector<16xi32>,
      %eq3A_838 = arith.cmpi eq, %get3A_837, %broadcast_in_dim3A_275 : vector<16xi32>
      %broadcast_in_dim3A_839 = arith.constant 1 : i32
      %broadcast_in_dim3A_840 = vector.broadcast %broadcast_in_dim3A_839 : i32 to vector<16xi32>
      %select_n3A_841 = arith.select %eq3A_838, %broadcast_in_dim3A_840, %broadcast_in_dim3A_269 : vector<16xi1>, vector<16xi32>
      %gather3A_842 = tpu.vector_load_idx %arg7[%get3A_837] : memref<1008xi32, #tpu.memory_space<vmem>>[vector<16xi32>], vector<16xi32>,
      %sub3A_843 = arith.subi %select_n3A_828, %gather3A_842 : vector<16xi32>
      %max3A_844 = arith.maxsi %sub3A_843, %broadcast_in_dim3A_269 : vector<16xi32>
      %add3A_845 = arith.addi %min3A_821, %select_n3A_841 : vector<16xi32>
      %min3A_846 = arith.minsi %add3A_845, %broadcast_in_dim3A_273 : vector<16xi32>
      %eq3A_847 = arith.cmpi eq, %min3A_846, %broadcast_in_dim3A_273 : vector<16xi32>
      %eq3A_848 = arith.cmpi eq, %min3A_846, %broadcast_in_dim3A_269 : vector<16xi32>
      %eq3A_849 = arith.cmpi eq, %min3A_846, %broadcast_in_dim3A_271 : vector<16xi32>
      %or3A_850 = arith.ori %eq3A_848, %eq3A_849 : vector<16xi1>
      %select_n3A_851 = arith.select %or3A_850, %broadcast_in_dim3A_273, %broadcast_in_dim3A_275 : vector<16xi1>, vector<16xi32>
      %select_n3A_852 = arith.select %eq3A_847, %broadcast_in_dim3A_269, %select_n3A_851 : vector<16xi1>, vector<16xi32>
      %select_n3A_853 = arith.select %eq3A_838, %select_n3A_852, %max3A_844 : vector<16xi1>, vector<16xi32>
      %eq3A_854 = arith.constant 23 : i32
      %eq3A_855 = arith.cmpi eq, %add3A, %eq3A_854 : i32
      %select_n3A_856 = arith.select %eq3A_855, %select_n3A_853, %select_n3A_831 : vector<16xi32>
      %mul3A_857 = arith.constant 16 : i32
      %mul3A_858 = arith.muli %scan3A_267, %mul3A_857 : i32
      %get3A_859 = arith.constant 24 : i32
      %get3A_860 = arith.index_cast %get3A_859 : i32 to index
      %get3A_861 = arith.index_cast %mul3A_858 : i32 to index
      %get3A_862 = tpu.vector_load %arg6[%get3A_860, %get3A_861] {strides = array<i32>} : memref<32x128xi32, #tpu.memory_space<vmem>>, vector<16xi32>,
      %eq3A_863 = arith.cmpi eq, %get3A_862, %broadcast_in_dim3A_275 : vector<16xi32>
      %broadcast_in_dim3A_864 = arith.constant 1 : i32
      %broadcast_in_dim3A_865 = vector.broadcast %broadcast_in_dim3A_864 : i32 to vector<16xi32>
      %select_n3A_866 = arith.select %eq3A_863, %broadcast_in_dim3A_865, %broadcast_in_dim3A_269 : vector<16xi1>, vector<16xi32>
      %gather3A_867 = tpu.vector_load_idx %arg7[%get3A_862] : memref<1008xi32, #tpu.memory_space<vmem>>[vector<16xi32>], vector<16xi32>,
      %sub3A_868 = arith.subi %select_n3A_853, %gather3A_867 : vector<16xi32>
      %max3A_869 = arith.maxsi %sub3A_868, %broadcast_in_dim3A_269 : vector<16xi32>
      %add3A_870 = arith.addi %min3A_846, %select_n3A_866 : vector<16xi32>
      %min3A_871 = arith.minsi %add3A_870, %broadcast_in_dim3A_273 : vector<16xi32>
      %eq3A_872 = arith.cmpi eq, %min3A_871, %broadcast_in_dim3A_273 : vector<16xi32>
      %eq3A_873 = arith.cmpi eq, %min3A_871, %broadcast_in_dim3A_269 : vector<16xi32>
      %eq3A_874 = arith.cmpi eq, %min3A_871, %broadcast_in_dim3A_271 : vector<16xi32>
      %or3A_875 = arith.ori %eq3A_873, %eq3A_874 : vector<16xi1>
      %select_n3A_876 = arith.select %or3A_875, %broadcast_in_dim3A_273, %broadcast_in_dim3A_275 : vector<16xi1>, vector<16xi32>
      %select_n3A_877 = arith.select %eq3A_872, %broadcast_in_dim3A_269, %select_n3A_876 : vector<16xi1>, vector<16xi32>
      %select_n3A_878 = arith.select %eq3A_863, %select_n3A_877, %max3A_869 : vector<16xi1>, vector<16xi32>
      %eq3A_879 = arith.constant 24 : i32
      %eq3A_880 = arith.cmpi eq, %add3A, %eq3A_879 : i32
      %select_n3A_881 = arith.select %eq3A_880, %select_n3A_878, %select_n3A_856 : vector<16xi32>
      %mul3A_882 = arith.constant 16 : i32
      %mul3A_883 = arith.muli %scan3A_267, %mul3A_882 : i32
      %get3A_884 = arith.constant 25 : i32
      %get3A_885 = arith.index_cast %get3A_884 : i32 to index
      %get3A_886 = arith.index_cast %mul3A_883 : i32 to index
      %get3A_887 = tpu.vector_load %arg6[%get3A_885, %get3A_886] {strides = array<i32>} : memref<32x128xi32, #tpu.memory_space<vmem>>, vector<16xi32>,
      %eq3A_888 = arith.cmpi eq, %get3A_887, %broadcast_in_dim3A_275 : vector<16xi32>
      %broadcast_in_dim3A_889 = arith.constant 1 : i32
      %broadcast_in_dim3A_890 = vector.broadcast %broadcast_in_dim3A_889 : i32 to vector<16xi32>
      %select_n3A_891 = arith.select %eq3A_888, %broadcast_in_dim3A_890, %broadcast_in_dim3A_269 : vector<16xi1>, vector<16xi32>
      %gather3A_892 = tpu.vector_load_idx %arg7[%get3A_887] : memref<1008xi32, #tpu.memory_space<vmem>>[vector<16xi32>], vector<16xi32>,
      %sub3A_893 = arith.subi %select_n3A_878, %gather3A_892 : vector<16xi32>
      %max3A_894 = arith.maxsi %sub3A_893, %broadcast_in_dim3A_269 : vector<16xi32>
      %add3A_895 = arith.addi %min3A_871, %select_n3A_891 : vector<16xi32>
      %min3A_896 = arith.minsi %add3A_895, %broadcast_in_dim3A_273 : vector<16xi32>
      %eq3A_897 = arith.cmpi eq, %min3A_896, %broadcast_in_dim3A_273 : vector<16xi32>
      %eq3A_898 = arith.cmpi eq, %min3A_896, %broadcast_in_dim3A_269 : vector<16xi32>
      %eq3A_899 = arith.cmpi eq, %min3A_896, %broadcast_in_dim3A_271 : vector<16xi32>
      %or3A_900 = arith.ori %eq3A_898, %eq3A_899 : vector<16xi1>
      %select_n3A_901 = arith.select %or3A_900, %broadcast_in_dim3A_273, %broadcast_in_dim3A_275 : vector<16xi1>, vector<16xi32>
      %select_n3A_902 = arith.select %eq3A_897, %broadcast_in_dim3A_269, %select_n3A_901 : vector<16xi1>, vector<16xi32>
      %select_n3A_903 = arith.select %eq3A_888, %select_n3A_902, %max3A_894 : vector<16xi1>, vector<16xi32>
      %eq3A_904 = arith.constant 25 : i32
      %eq3A_905 = arith.cmpi eq, %add3A, %eq3A_904 : i32
      %select_n3A_906 = arith.select %eq3A_905, %select_n3A_903, %select_n3A_881 : vector<16xi32>
      %mul3A_907 = arith.constant 16 : i32
      %mul3A_908 = arith.muli %scan3A_267, %mul3A_907 : i32
      %get3A_909 = arith.constant 26 : i32
      %get3A_910 = arith.index_cast %get3A_909 : i32 to index
      %get3A_911 = arith.index_cast %mul3A_908 : i32 to index
      %get3A_912 = tpu.vector_load %arg6[%get3A_910, %get3A_911] {strides = array<i32>} : memref<32x128xi32, #tpu.memory_space<vmem>>, vector<16xi32>,
      %eq3A_913 = arith.cmpi eq, %get3A_912, %broadcast_in_dim3A_275 : vector<16xi32>
      %broadcast_in_dim3A_914 = arith.constant 1 : i32
      %broadcast_in_dim3A_915 = vector.broadcast %broadcast_in_dim3A_914 : i32 to vector<16xi32>
      %select_n3A_916 = arith.select %eq3A_913, %broadcast_in_dim3A_915, %broadcast_in_dim3A_269 : vector<16xi1>, vector<16xi32>
      %gather3A_917 = tpu.vector_load_idx %arg7[%get3A_912] : memref<1008xi32, #tpu.memory_space<vmem>>[vector<16xi32>], vector<16xi32>,
      %sub3A_918 = arith.subi %select_n3A_903, %gather3A_917 : vector<16xi32>
      %max3A_919 = arith.maxsi %sub3A_918, %broadcast_in_dim3A_269 : vector<16xi32>
      %add3A_920 = arith.addi %min3A_896, %select_n3A_916 : vector<16xi32>
      %min3A_921 = arith.minsi %add3A_920, %broadcast_in_dim3A_273 : vector<16xi32>
      %eq3A_922 = arith.cmpi eq, %min3A_921, %broadcast_in_dim3A_273 : vector<16xi32>
      %eq3A_923 = arith.cmpi eq, %min3A_921, %broadcast_in_dim3A_269 : vector<16xi32>
      %eq3A_924 = arith.cmpi eq, %min3A_921, %broadcast_in_dim3A_271 : vector<16xi32>
      %or3A_925 = arith.ori %eq3A_923, %eq3A_924 : vector<16xi1>
      %select_n3A_926 = arith.select %or3A_925, %broadcast_in_dim3A_273, %broadcast_in_dim3A_275 : vector<16xi1>, vector<16xi32>
      %select_n3A_927 = arith.select %eq3A_922, %broadcast_in_dim3A_269, %select_n3A_926 : vector<16xi1>, vector<16xi32>
      %select_n3A_928 = arith.select %eq3A_913, %select_n3A_927, %max3A_919 : vector<16xi1>, vector<16xi32>
      %eq3A_929 = arith.constant 26 : i32
      %eq3A_930 = arith.cmpi eq, %add3A, %eq3A_929 : i32
      %select_n3A_931 = arith.select %eq3A_930, %select_n3A_928, %select_n3A_906 : vector<16xi32>
      %mul3A_932 = arith.constant 16 : i32
      %mul3A_933 = arith.muli %scan3A_267, %mul3A_932 : i32
      %get3A_934 = arith.constant 27 : i32
      %get3A_935 = arith.index_cast %get3A_934 : i32 to index
      %get3A_936 = arith.index_cast %mul3A_933 : i32 to index
      %get3A_937 = tpu.vector_load %arg6[%get3A_935, %get3A_936] {strides = array<i32>} : memref<32x128xi32, #tpu.memory_space<vmem>>, vector<16xi32>,
      %eq3A_938 = arith.cmpi eq, %get3A_937, %broadcast_in_dim3A_275 : vector<16xi32>
      %broadcast_in_dim3A_939 = arith.constant 1 : i32
      %broadcast_in_dim3A_940 = vector.broadcast %broadcast_in_dim3A_939 : i32 to vector<16xi32>
      %select_n3A_941 = arith.select %eq3A_938, %broadcast_in_dim3A_940, %broadcast_in_dim3A_269 : vector<16xi1>, vector<16xi32>
      %gather3A_942 = tpu.vector_load_idx %arg7[%get3A_937] : memref<1008xi32, #tpu.memory_space<vmem>>[vector<16xi32>], vector<16xi32>,
      %sub3A_943 = arith.subi %select_n3A_928, %gather3A_942 : vector<16xi32>
      %max3A_944 = arith.maxsi %sub3A_943, %broadcast_in_dim3A_269 : vector<16xi32>
      %add3A_945 = arith.addi %min3A_921, %select_n3A_941 : vector<16xi32>
      %min3A_946 = arith.minsi %add3A_945, %broadcast_in_dim3A_273 : vector<16xi32>
      %eq3A_947 = arith.cmpi eq, %min3A_946, %broadcast_in_dim3A_273 : vector<16xi32>
      %eq3A_948 = arith.cmpi eq, %min3A_946, %broadcast_in_dim3A_269 : vector<16xi32>
      %eq3A_949 = arith.cmpi eq, %min3A_946, %broadcast_in_dim3A_271 : vector<16xi32>
      %or3A_950 = arith.ori %eq3A_948, %eq3A_949 : vector<16xi1>
      %select_n3A_951 = arith.select %or3A_950, %broadcast_in_dim3A_273, %broadcast_in_dim3A_275 : vector<16xi1>, vector<16xi32>
      %select_n3A_952 = arith.select %eq3A_947, %broadcast_in_dim3A_269, %select_n3A_951 : vector<16xi1>, vector<16xi32>
      %select_n3A_953 = arith.select %eq3A_938, %select_n3A_952, %max3A_944 : vector<16xi1>, vector<16xi32>
      %eq3A_954 = arith.constant 27 : i32
      %eq3A_955 = arith.cmpi eq, %add3A, %eq3A_954 : i32
      %select_n3A_956 = arith.select %eq3A_955, %select_n3A_953, %select_n3A_931 : vector<16xi32>
      %mul3A_957 = arith.constant 16 : i32
      %mul3A_958 = arith.muli %scan3A_267, %mul3A_957 : i32
      %get3A_959 = arith.constant 28 : i32
      %get3A_960 = arith.index_cast %get3A_959 : i32 to index
      %get3A_961 = arith.index_cast %mul3A_958 : i32 to index
      %get3A_962 = tpu.vector_load %arg6[%get3A_960, %get3A_961] {strides = array<i32>} : memref<32x128xi32, #tpu.memory_space<vmem>>, vector<16xi32>,
      %eq3A_963 = arith.cmpi eq, %get3A_962, %broadcast_in_dim3A_275 : vector<16xi32>
      %broadcast_in_dim3A_964 = arith.constant 1 : i32
      %broadcast_in_dim3A_965 = vector.broadcast %broadcast_in_dim3A_964 : i32 to vector<16xi32>
      %select_n3A_966 = arith.select %eq3A_963, %broadcast_in_dim3A_965, %broadcast_in_dim3A_269 : vector<16xi1>, vector<16xi32>
      %gather3A_967 = tpu.vector_load_idx %arg7[%get3A_962] : memref<1008xi32, #tpu.memory_space<vmem>>[vector<16xi32>], vector<16xi32>,
      %sub3A_968 = arith.subi %select_n3A_953, %gather3A_967 : vector<16xi32>
      %max3A_969 = arith.maxsi %sub3A_968, %broadcast_in_dim3A_269 : vector<16xi32>
      %add3A_970 = arith.addi %min3A_946, %select_n3A_966 : vector<16xi32>
      %min3A_971 = arith.minsi %add3A_970, %broadcast_in_dim3A_273 : vector<16xi32>
      %eq3A_972 = arith.cmpi eq, %min3A_971, %broadcast_in_dim3A_273 : vector<16xi32>
      %eq3A_973 = arith.cmpi eq, %min3A_971, %broadcast_in_dim3A_269 : vector<16xi32>
      %eq3A_974 = arith.cmpi eq, %min3A_971, %broadcast_in_dim3A_271 : vector<16xi32>
      %or3A_975 = arith.ori %eq3A_973, %eq3A_974 : vector<16xi1>
      %select_n3A_976 = arith.select %or3A_975, %broadcast_in_dim3A_273, %broadcast_in_dim3A_275 : vector<16xi1>, vector<16xi32>
      %select_n3A_977 = arith.select %eq3A_972, %broadcast_in_dim3A_269, %select_n3A_976 : vector<16xi1>, vector<16xi32>
      %select_n3A_978 = arith.select %eq3A_963, %select_n3A_977, %max3A_969 : vector<16xi1>, vector<16xi32>
      %eq3A_979 = arith.constant 28 : i32
      %eq3A_980 = arith.cmpi eq, %add3A, %eq3A_979 : i32
      %select_n3A_981 = arith.select %eq3A_980, %select_n3A_978, %select_n3A_956 : vector<16xi32>
      %mul3A_982 = arith.constant 16 : i32
      %mul3A_983 = arith.muli %scan3A_267, %mul3A_982 : i32
      %get3A_984 = arith.constant 29 : i32
      %get3A_985 = arith.index_cast %get3A_984 : i32 to index
      %get3A_986 = arith.index_cast %mul3A_983 : i32 to index
      %get3A_987 = tpu.vector_load %arg6[%get3A_985, %get3A_986] {strides = array<i32>} : memref<32x128xi32, #tpu.memory_space<vmem>>, vector<16xi32>,
      %eq3A_988 = arith.cmpi eq, %get3A_987, %broadcast_in_dim3A_275 : vector<16xi32>
      %broadcast_in_dim3A_989 = arith.constant 1 : i32
      %broadcast_in_dim3A_990 = vector.broadcast %broadcast_in_dim3A_989 : i32 to vector<16xi32>
      %select_n3A_991 = arith.select %eq3A_988, %broadcast_in_dim3A_990, %broadcast_in_dim3A_269 : vector<16xi1>, vector<16xi32>
      %gather3A_992 = tpu.vector_load_idx %arg7[%get3A_987] : memref<1008xi32, #tpu.memory_space<vmem>>[vector<16xi32>], vector<16xi32>,
      %sub3A_993 = arith.subi %select_n3A_978, %gather3A_992 : vector<16xi32>
      %max3A_994 = arith.maxsi %sub3A_993, %broadcast_in_dim3A_269 : vector<16xi32>
      %add3A_995 = arith.addi %min3A_971, %select_n3A_991 : vector<16xi32>
      %min3A_996 = arith.minsi %add3A_995, %broadcast_in_dim3A_273 : vector<16xi32>
      %eq3A_997 = arith.cmpi eq, %min3A_996, %broadcast_in_dim3A_273 : vector<16xi32>
      %eq3A_998 = arith.cmpi eq, %min3A_996, %broadcast_in_dim3A_269 : vector<16xi32>
      %eq3A_999 = arith.cmpi eq, %min3A_996, %broadcast_in_dim3A_271 : vector<16xi32>
      %or3A_1000 = arith.ori %eq3A_998, %eq3A_999 : vector<16xi1>
      %select_n3A_1001 = arith.select %or3A_1000, %broadcast_in_dim3A_273, %broadcast_in_dim3A_275 : vector<16xi1>, vector<16xi32>
      %select_n3A_1002 = arith.select %eq3A_997, %broadcast_in_dim3A_269, %select_n3A_1001 : vector<16xi1>, vector<16xi32>
      %select_n3A_1003 = arith.select %eq3A_988, %select_n3A_1002, %max3A_994 : vector<16xi1>, vector<16xi32>
      %eq3A_1004 = arith.constant 29 : i32
      %eq3A_1005 = arith.cmpi eq, %add3A, %eq3A_1004 : i32
      %select_n3A_1006 = arith.select %eq3A_1005, %select_n3A_1003, %select_n3A_981 : vector<16xi32>
      %mul3A_1007 = arith.constant 16 : i32
      %mul3A_1008 = arith.muli %scan3A_267, %mul3A_1007 : i32
      %get3A_1009 = arith.constant 30 : i32
      %get3A_1010 = arith.index_cast %get3A_1009 : i32 to index
      %get3A_1011 = arith.index_cast %mul3A_1008 : i32 to index
      %get3A_1012 = tpu.vector_load %arg6[%get3A_1010, %get3A_1011] {strides = array<i32>} : memref<32x128xi32, #tpu.memory_space<vmem>>, vector<16xi32>,
      %eq3A_1013 = arith.cmpi eq, %get3A_1012, %broadcast_in_dim3A_275 : vector<16xi32>
      %broadcast_in_dim3A_1014 = arith.constant 1 : i32
      %broadcast_in_dim3A_1015 = vector.broadcast %broadcast_in_dim3A_1014 : i32 to vector<16xi32>
      %select_n3A_1016 = arith.select %eq3A_1013, %broadcast_in_dim3A_1015, %broadcast_in_dim3A_269 : vector<16xi1>, vector<16xi32>
      %gather3A_1017 = tpu.vector_load_idx %arg7[%get3A_1012] : memref<1008xi32, #tpu.memory_space<vmem>>[vector<16xi32>], vector<16xi32>,
      %sub3A_1018 = arith.subi %select_n3A_1003, %gather3A_1017 : vector<16xi32>
      %max3A_1019 = arith.maxsi %sub3A_1018, %broadcast_in_dim3A_269 : vector<16xi32>
      %add3A_1020 = arith.addi %min3A_996, %select_n3A_1016 : vector<16xi32>
      %min3A_1021 = arith.minsi %add3A_1020, %broadcast_in_dim3A_273 : vector<16xi32>
      %eq3A_1022 = arith.cmpi eq, %min3A_1021, %broadcast_in_dim3A_273 : vector<16xi32>
      %eq3A_1023 = arith.cmpi eq, %min3A_1021, %broadcast_in_dim3A_269 : vector<16xi32>
      %eq3A_1024 = arith.cmpi eq, %min3A_1021, %broadcast_in_dim3A_271 : vector<16xi32>
      %or3A_1025 = arith.ori %eq3A_1023, %eq3A_1024 : vector<16xi1>
      %select_n3A_1026 = arith.select %or3A_1025, %broadcast_in_dim3A_273, %broadcast_in_dim3A_275 : vector<16xi1>, vector<16xi32>
      %select_n3A_1027 = arith.select %eq3A_1022, %broadcast_in_dim3A_269, %select_n3A_1026 : vector<16xi1>, vector<16xi32>
      %select_n3A_1028 = arith.select %eq3A_1013, %select_n3A_1027, %max3A_1019 : vector<16xi1>, vector<16xi32>
      %eq3A_1029 = arith.constant 30 : i32
      %eq3A_1030 = arith.cmpi eq, %add3A, %eq3A_1029 : i32
      %select_n3A_1031 = arith.select %eq3A_1030, %select_n3A_1028, %select_n3A_1006 : vector<16xi32>
      %mul3A_1032 = arith.constant 16 : i32
      %mul3A_1033 = arith.muli %scan3A_267, %mul3A_1032 : i32
      %get3A_1034 = arith.constant 31 : i32
      %get3A_1035 = arith.index_cast %get3A_1034 : i32 to index
      %get3A_1036 = arith.index_cast %mul3A_1033 : i32 to index
      %get3A_1037 = tpu.vector_load %arg6[%get3A_1035, %get3A_1036] {strides = array<i32>} : memref<32x128xi32, #tpu.memory_space<vmem>>, vector<16xi32>,
      %eq3A_1038 = arith.cmpi eq, %get3A_1037, %broadcast_in_dim3A_275 : vector<16xi32>
      %broadcast_in_dim3A_1039 = arith.constant 1 : i32
      %broadcast_in_dim3A_1040 = vector.broadcast %broadcast_in_dim3A_1039 : i32 to vector<16xi32>
      %select_n3A_1041 = arith.select %eq3A_1038, %broadcast_in_dim3A_1040, %broadcast_in_dim3A_269 : vector<16xi1>, vector<16xi32>
      %gather3A_1042 = tpu.vector_load_idx %arg7[%get3A_1037] : memref<1008xi32, #tpu.memory_space<vmem>>[vector<16xi32>], vector<16xi32>,
      %sub3A_1043 = arith.subi %select_n3A_1028, %gather3A_1042 : vector<16xi32>
      %max3A_1044 = arith.maxsi %sub3A_1043, %broadcast_in_dim3A_269 : vector<16xi32>
      %add3A_1045 = arith.addi %min3A_1021, %select_n3A_1041 : vector<16xi32>
      %min3A_1046 = arith.minsi %add3A_1045, %broadcast_in_dim3A_273 : vector<16xi32>
      %eq3A_1047 = arith.cmpi eq, %min3A_1046, %broadcast_in_dim3A_273 : vector<16xi32>
      %eq3A_1048 = arith.cmpi eq, %min3A_1046, %broadcast_in_dim3A_269 : vector<16xi32>
      %eq3A_1049 = arith.cmpi eq, %min3A_1046, %broadcast_in_dim3A_271 : vector<16xi32>
      %or3A_1050 = arith.ori %eq3A_1048, %eq3A_1049 : vector<16xi1>
      %select_n3A_1051 = arith.select %or3A_1050, %broadcast_in_dim3A_273, %broadcast_in_dim3A_275 : vector<16xi1>, vector<16xi32>
      %select_n3A_1052 = arith.select %eq3A_1047, %broadcast_in_dim3A_269, %select_n3A_1051 : vector<16xi1>, vector<16xi32>
      %select_n3A_1053 = arith.select %eq3A_1038, %select_n3A_1052, %max3A_1044 : vector<16xi1>, vector<16xi32>
      %eq3A_1054 = arith.constant 31 : i32
      %eq3A_1055 = arith.cmpi eq, %add3A, %eq3A_1054 : i32
      %select_n3A_1056 = arith.select %eq3A_1055, %select_n3A_1053, %select_n3A_1031 : vector<16xi32>
      %mul3A_1057 = arith.constant 16 : i32
      %mul3A_1058 = arith.muli %scan3A_267, %mul3A_1057 : i32
      %swap3A = arith.index_cast %mul3A_1058 : i32 to index
      %swap3A_1059 = tpu.vector_load %arg8[%swap3A] {strides = array<i32>} : memref<128xi32, #tpu.memory_space<vmem>>, vector<16xi32>,
      tpu.vector_store %arg8[%swap3A], %select_n3A_1056 {strides = array<i32>} : memref<128xi32, #tpu.memory_space<vmem>>, vector<16xi32>,
    }
    %scan3A_20 = arith.constant 8 : i32
    %scan3A_21 = arith.constant 0 : i32
    %scan3A_22 = arith.constant 0 : i32
    %scan3A_23 = arith.constant 128 : i32
    %scan3A_24 = arith.addi %scan3A_22, %scan3A_23 : i32
    %scan3A_25 = arith.constant 1 : i32
    scf.for %scan3A_267 = %scan3A_22 to %scan3A_24 step %scan3A_25  : i32 {
      %broadcast_in_dim3A_268 = vector.broadcast %scan3A_267 : i32 to vector<16xi32>
      %gather3A = tpu.vector_load_idx %arg8[%broadcast_in_dim3A_268] : memref<128xi32, #tpu.memory_space<vmem>>[vector<16xi32>], vector<16xi32>,
      %swap3A = arith.index_cast %scan3A_267 : i32 to index
      %swap3A_269 = arith.constant 0 : index
      %swap3A_270 = tpu.vector_load %arg9[%swap3A, %swap3A_269] {strides = array<i32>} : memref<128x16xi32, #tpu.memory_space<vmem>>, vector<16xi32>,
      tpu.vector_store %arg9[%swap3A, %swap3A_269], %gather3A {strides = array<i32>} : memref<128x16xi32, #tpu.memory_space<vmem>>, vector<16xi32>,
    }
    %scan3A_26 = arith.constant 128 : i32
    %broadcast_in_dim3A = arith.constant 0xFF800000 : f32
    %broadcast_in_dim3A_27 = vector.broadcast %broadcast_in_dim3A : f32 to vector<16xf32>
    %dma_wait3A = arith.constant 0 : i32
    %dma_wait3A_28 = arith.constant 0 : i32
    %dma_wait3A_29 = tpu.memref_slice %arg2[%add3A, %dma_wait3A, %dma_wait3A_28] : memref<32x128x1000xf32, #tpu.memory_space<hbm>> -> memref<1x16x1000xf32, #tpu.memory_space<hbm>>
    %dma_wait3A_30 = tpu.memref_squeeze %dma_wait3A_29 : memref<1x16x1000xf32, #tpu.memory_space<hbm>> -> memref<16x1000xf32, #tpu.memory_space<hbm>>
    %dma_wait3A_31 = arith.constant 0 : i32
    %dma_wait3A_32 = arith.constant 0 : i32
    %dma_wait3A_33 = tpu.memref_slice %arg2[%add3A, %dma_wait3A_31, %dma_wait3A_32] : memref<32x128x1000xf32, #tpu.memory_space<hbm>> -> memref<1x16x1000xf32, #tpu.memory_space<hbm>>
    %dma_wait3A_34 = tpu.memref_squeeze %dma_wait3A_33 : memref<1x16x1000xf32, #tpu.memory_space<hbm>> -> memref<16x1000xf32, #tpu.memory_space<hbm>>
    tpu.wait_dma2 semaphore(%arg16 : memref<!tpu.dma_semaphore, #tpu.memory_space<semaphore_mem>>) src(%dma_wait3A_34 : memref<16x1000xf32, #tpu.memory_space<hbm>>) dst(%arg10 : memref<16x1000xf32, #tpu.memory_space<vmem>>)
    %dma_start3A_35 = arith.constant 0 : i32
    %dma_start3A_36 = arith.constant 0 : i32
    %dma_start3A_37 = tpu.memref_slice %arg5[%add3A, %dma_start3A_35, %dma_start3A_36] : memref<32x128x1000xf32, #tpu.memory_space<hbm>> -> memref<1x16x1000xf32, #tpu.memory_space<hbm>>
    %dma_start3A_38 = tpu.memref_squeeze %dma_start3A_37 : memref<1x16x1000xf32, #tpu.memory_space<hbm>> -> memref<16x1000xf32, #tpu.memory_space<hbm>>
    %dma_start3A_39 = arith.constant 0 : i32
    %dma_start3A_40 = arith.constant 0 : i32
    %dma_start3A_41 = tpu.memref_slice %arg5[%add3A, %dma_start3A_39, %dma_start3A_40] : memref<32x128x1000xf32, #tpu.memory_space<hbm>> -> memref<1x16x1000xf32, #tpu.memory_space<hbm>>
    %dma_start3A_42 = tpu.memref_squeeze %dma_start3A_41 : memref<1x16x1000xf32, #tpu.memory_space<hbm>> -> memref<16x1000xf32, #tpu.memory_space<hbm>>
    tpu.enqueue_dma source(%arg10 : memref<16x1000xf32, #tpu.memory_space<vmem>>) target(%dma_start3A_42 : memref<16x1000xf32, #tpu.memory_space<hbm>>) target_semaphore(%arg18 : memref<!tpu.dma_semaphore, #tpu.memory_space<semaphore_mem>>)
    %dma_start3A_43 = arith.constant 32 : i32
    %dma_start3A_44 = arith.constant 0 : i32
    %dma_start3A_45 = tpu.memref_slice %arg2[%add3A, %dma_start3A_43, %dma_start3A_44] : memref<32x128x1000xf32, #tpu.memory_space<hbm>> -> memref<1x16x1000xf32, #tpu.memory_space<hbm>>
    %dma_start3A_46 = tpu.memref_squeeze %dma_start3A_45 : memref<1x16x1000xf32, #tpu.memory_space<hbm>> -> memref<16x1000xf32, #tpu.memory_space<hbm>>
    %dma_start3A_47 = arith.constant 32 : i32
    %dma_start3A_48 = arith.constant 0 : i32
    %dma_start3A_49 = tpu.memref_slice %arg2[%add3A, %dma_start3A_47, %dma_start3A_48] : memref<32x128x1000xf32, #tpu.memory_space<hbm>> -> memref<1x16x1000xf32, #tpu.memory_space<hbm>>
    %dma_start3A_50 = tpu.memref_squeeze %dma_start3A_49 : memref<1x16x1000xf32, #tpu.memory_space<hbm>> -> memref<16x1000xf32, #tpu.memory_space<hbm>>
    tpu.enqueue_dma source(%dma_start3A_50 : memref<16x1000xf32, #tpu.memory_space<hbm>>) target(%arg10 : memref<16x1000xf32, #tpu.memory_space<vmem>>) target_semaphore(%arg16 : memref<!tpu.dma_semaphore, #tpu.memory_space<semaphore_mem>>)
    %dma_wait3A_51 = arith.constant 16 : i32
    %dma_wait3A_52 = arith.constant 0 : i32
    %dma_wait3A_53 = tpu.memref_slice %arg2[%add3A, %dma_wait3A_51, %dma_wait3A_52] : memref<32x128x1000xf32, #tpu.memory_space<hbm>> -> memref<1x16x1000xf32, #tpu.memory_space<hbm>>
    %dma_wait3A_54 = tpu.memref_squeeze %dma_wait3A_53 : memref<1x16x1000xf32, #tpu.memory_space<hbm>> -> memref<16x1000xf32, #tpu.memory_space<hbm>>
    %dma_wait3A_55 = arith.constant 16 : i32
    %dma_wait3A_56 = arith.constant 0 : i32
    %dma_wait3A_57 = tpu.memref_slice %arg2[%add3A, %dma_wait3A_55, %dma_wait3A_56] : memref<32x128x1000xf32, #tpu.memory_space<hbm>> -> memref<1x16x1000xf32, #tpu.memory_space<hbm>>
    %dma_wait3A_58 = tpu.memref_squeeze %dma_wait3A_57 : memref<1x16x1000xf32, #tpu.memory_space<hbm>> -> memref<16x1000xf32, #tpu.memory_space<hbm>>
    tpu.wait_dma2 semaphore(%arg17 : memref<!tpu.dma_semaphore, #tpu.memory_space<semaphore_mem>>) src(%dma_wait3A_58 : memref<16x1000xf32, #tpu.memory_space<hbm>>) dst(%arg11 : memref<16x1000xf32, #tpu.memory_space<vmem>>)
    %dma_start3A_59 = arith.constant 16 : i32
    %dma_start3A_60 = arith.constant 0 : i32
    %dma_start3A_61 = tpu.memref_slice %arg5[%add3A, %dma_start3A_59, %dma_start3A_60] : memref<32x128x1000xf32, #tpu.memory_space<hbm>> -> memref<1x16x1000xf32, #tpu.memory_space<hbm>>
    %dma_start3A_62 = tpu.memref_squeeze %dma_start3A_61 : memref<1x16x1000xf32, #tpu.memory_space<hbm>> -> memref<16x1000xf32, #tpu.memory_space<hbm>>
    %dma_start3A_63 = arith.constant 16 : i32
    %dma_start3A_64 = arith.constant 0 : i32
    %dma_start3A_65 = tpu.memref_slice %arg5[%add3A, %dma_start3A_63, %dma_start3A_64] : memref<32x128x1000xf32, #tpu.memory_space<hbm>> -> memref<1x16x1000xf32, #tpu.memory_space<hbm>>
    %dma_start3A_66 = tpu.memref_squeeze %dma_start3A_65 : memref<1x16x1000xf32, #tpu.memory_space<hbm>> -> memref<16x1000xf32, #tpu.memory_space<hbm>>
    tpu.enqueue_dma source(%arg11 : memref<16x1000xf32, #tpu.memory_space<vmem>>) target(%dma_start3A_66 : memref<16x1000xf32, #tpu.memory_space<hbm>>) target_semaphore(%arg19 : memref<!tpu.dma_semaphore, #tpu.memory_space<semaphore_mem>>)
    %dma_start3A_67 = arith.constant 48 : i32
    %dma_start3A_68 = arith.constant 0 : i32
    %dma_start3A_69 = tpu.memref_slice %arg2[%add3A, %dma_start3A_67, %dma_start3A_68] : memref<32x128x1000xf32, #tpu.memory_space<hbm>> -> memref<1x16x1000xf32, #tpu.memory_space<hbm>>
    %dma_start3A_70 = tpu.memref_squeeze %dma_start3A_69 : memref<1x16x1000xf32, #tpu.memory_space<hbm>> -> memref<16x1000xf32, #tpu.memory_space<hbm>>
    %dma_start3A_71 = arith.constant 48 : i32
    %dma_start3A_72 = arith.constant 0 : i32
    %dma_start3A_73 = tpu.memref_slice %arg2[%add3A, %dma_start3A_71, %dma_start3A_72] : memref<32x128x1000xf32, #tpu.memory_space<hbm>> -> memref<1x16x1000xf32, #tpu.memory_space<hbm>>
    %dma_start3A_74 = tpu.memref_squeeze %dma_start3A_73 : memref<1x16x1000xf32, #tpu.memory_space<hbm>> -> memref<16x1000xf32, #tpu.memory_space<hbm>>
    tpu.enqueue_dma source(%dma_start3A_74 : memref<16x1000xf32, #tpu.memory_space<hbm>>) target(%arg11 : memref<16x1000xf32, #tpu.memory_space<vmem>>) target_semaphore(%arg17 : memref<!tpu.dma_semaphore, #tpu.memory_space<semaphore_mem>>)
    %dma_wait3A_75 = arith.constant 32 : i32
    %dma_wait3A_76 = arith.constant 0 : i32
    %dma_wait3A_77 = tpu.memref_slice %arg2[%add3A, %dma_wait3A_75, %dma_wait3A_76] : memref<32x128x1000xf32, #tpu.memory_space<hbm>> -> memref<1x16x1000xf32, #tpu.memory_space<hbm>>
    %dma_wait3A_78 = tpu.memref_squeeze %dma_wait3A_77 : memref<1x16x1000xf32, #tpu.memory_space<hbm>> -> memref<16x1000xf32, #tpu.memory_space<hbm>>
    %dma_wait3A_79 = arith.constant 32 : i32
    %dma_wait3A_80 = arith.constant 0 : i32
    %dma_wait3A_81 = tpu.memref_slice %arg2[%add3A, %dma_wait3A_79, %dma_wait3A_80] : memref<32x128x1000xf32, #tpu.memory_space<hbm>> -> memref<1x16x1000xf32, #tpu.memory_space<hbm>>
    %dma_wait3A_82 = tpu.memref_squeeze %dma_wait3A_81 : memref<1x16x1000xf32, #tpu.memory_space<hbm>> -> memref<16x1000xf32, #tpu.memory_space<hbm>>
    tpu.wait_dma2 semaphore(%arg16 : memref<!tpu.dma_semaphore, #tpu.memory_space<semaphore_mem>>) src(%dma_wait3A_82 : memref<16x1000xf32, #tpu.memory_space<hbm>>) dst(%arg10 : memref<16x1000xf32, #tpu.memory_space<vmem>>)
    %dma_wait3A_83 = arith.constant 0 : i32
    %dma_wait3A_84 = arith.constant 0 : i32
    %dma_wait3A_85 = tpu.memref_slice %arg5[%add3A, %dma_wait3A_83, %dma_wait3A_84] : memref<32x128x1000xf32, #tpu.memory_space<hbm>> -> memref<1x16x1000xf32, #tpu.memory_space<hbm>>
    %dma_wait3A_86 = tpu.memref_squeeze %dma_wait3A_85 : memref<1x16x1000xf32, #tpu.memory_space<hbm>> -> memref<16x1000xf32, #tpu.memory_space<hbm>>
    %dma_wait3A_87 = arith.constant 0 : i32
    %dma_wait3A_88 = arith.constant 0 : i32
    %dma_wait3A_89 = tpu.memref_slice %arg5[%add3A, %dma_wait3A_87, %dma_wait3A_88] : memref<32x128x1000xf32, #tpu.memory_space<hbm>> -> memref<1x16x1000xf32, #tpu.memory_space<hbm>>
    %dma_wait3A_90 = tpu.memref_squeeze %dma_wait3A_89 : memref<1x16x1000xf32, #tpu.memory_space<hbm>> -> memref<16x1000xf32, #tpu.memory_space<hbm>>
    tpu.wait_dma2 semaphore(%arg18 : memref<!tpu.dma_semaphore, #tpu.memory_space<semaphore_mem>>) src(%arg10 : memref<16x1000xf32, #tpu.memory_space<vmem>>) dst(%dma_wait3A_90 : memref<16x1000xf32, #tpu.memory_space<hbm>>)
    %dma_start3A_91 = arith.constant 32 : i32
    %dma_start3A_92 = arith.constant 0 : i32
    %dma_start3A_93 = tpu.memref_slice %arg5[%add3A, %dma_start3A_91, %dma_start3A_92] : memref<32x128x1000xf32, #tpu.memory_space<hbm>> -> memref<1x16x1000xf32, #tpu.memory_space<hbm>>
    %dma_start3A_94 = tpu.memref_squeeze %dma_start3A_93 : memref<1x16x1000xf32, #tpu.memory_space<hbm>> -> memref<16x1000xf32, #tpu.memory_space<hbm>>
    %dma_start3A_95 = arith.constant 32 : i32
    %dma_start3A_96 = arith.constant 0 : i32
    %dma_start3A_97 = tpu.memref_slice %arg5[%add3A, %dma_start3A_95, %dma_start3A_96] : memref<32x128x1000xf32, #tpu.memory_space<hbm>> -> memref<1x16x1000xf32, #tpu.memory_space<hbm>>
    %dma_start3A_98 = tpu.memref_squeeze %dma_start3A_97 : memref<1x16x1000xf32, #tpu.memory_space<hbm>> -> memref<16x1000xf32, #tpu.memory_space<hbm>>
    tpu.enqueue_dma source(%arg10 : memref<16x1000xf32, #tpu.memory_space<vmem>>) target(%dma_start3A_98 : memref<16x1000xf32, #tpu.memory_space<hbm>>) target_semaphore(%arg18 : memref<!tpu.dma_semaphore, #tpu.memory_space<semaphore_mem>>)
    %dma_start3A_99 = arith.constant 64 : i32
    %dma_start3A_100 = arith.constant 0 : i32
    %dma_start3A_101 = tpu.memref_slice %arg2[%add3A, %dma_start3A_99, %dma_start3A_100] : memref<32x128x1000xf32, #tpu.memory_space<hbm>> -> memref<1x16x1000xf32, #tpu.memory_space<hbm>>
    %dma_start3A_102 = tpu.memref_squeeze %dma_start3A_101 : memref<1x16x1000xf32, #tpu.memory_space<hbm>> -> memref<16x1000xf32, #tpu.memory_space<hbm>>
    %dma_start3A_103 = arith.constant 64 : i32
    %dma_start3A_104 = arith.constant 0 : i32
    %dma_start3A_105 = tpu.memref_slice %arg2[%add3A, %dma_start3A_103, %dma_start3A_104] : memref<32x128x1000xf32, #tpu.memory_space<hbm>> -> memref<1x16x1000xf32, #tpu.memory_space<hbm>>
    %dma_start3A_106 = tpu.memref_squeeze %dma_start3A_105 : memref<1x16x1000xf32, #tpu.memory_space<hbm>> -> memref<16x1000xf32, #tpu.memory_space<hbm>>
    tpu.enqueue_dma source(%dma_start3A_106 : memref<16x1000xf32, #tpu.memory_space<hbm>>) target(%arg10 : memref<16x1000xf32, #tpu.memory_space<vmem>>) target_semaphore(%arg16 : memref<!tpu.dma_semaphore, #tpu.memory_space<semaphore_mem>>)
    %dma_wait3A_107 = arith.constant 48 : i32
    %dma_wait3A_108 = arith.constant 0 : i32
    %dma_wait3A_109 = tpu.memref_slice %arg2[%add3A, %dma_wait3A_107, %dma_wait3A_108] : memref<32x128x1000xf32, #tpu.memory_space<hbm>> -> memref<1x16x1000xf32, #tpu.memory_space<hbm>>
    %dma_wait3A_110 = tpu.memref_squeeze %dma_wait3A_109 : memref<1x16x1000xf32, #tpu.memory_space<hbm>> -> memref<16x1000xf32, #tpu.memory_space<hbm>>
    %dma_wait3A_111 = arith.constant 48 : i32
    %dma_wait3A_112 = arith.constant 0 : i32
    %dma_wait3A_113 = tpu.memref_slice %arg2[%add3A, %dma_wait3A_111, %dma_wait3A_112] : memref<32x128x1000xf32, #tpu.memory_space<hbm>> -> memref<1x16x1000xf32, #tpu.memory_space<hbm>>
    %dma_wait3A_114 = tpu.memref_squeeze %dma_wait3A_113 : memref<1x16x1000xf32, #tpu.memory_space<hbm>> -> memref<16x1000xf32, #tpu.memory_space<hbm>>
    tpu.wait_dma2 semaphore(%arg17 : memref<!tpu.dma_semaphore, #tpu.memory_space<semaphore_mem>>) src(%dma_wait3A_114 : memref<16x1000xf32, #tpu.memory_space<hbm>>) dst(%arg11 : memref<16x1000xf32, #tpu.memory_space<vmem>>)
    %dma_wait3A_115 = arith.constant 16 : i32
    %dma_wait3A_116 = arith.constant 0 : i32
    %dma_wait3A_117 = tpu.memref_slice %arg5[%add3A, %dma_wait3A_115, %dma_wait3A_116] : memref<32x128x1000xf32, #tpu.memory_space<hbm>> -> memref<1x16x1000xf32, #tpu.memory_space<hbm>>
    %dma_wait3A_118 = tpu.memref_squeeze %dma_wait3A_117 : memref<1x16x1000xf32, #tpu.memory_space<hbm>> -> memref<16x1000xf32, #tpu.memory_space<hbm>>
    %dma_wait3A_119 = arith.constant 16 : i32
    %dma_wait3A_120 = arith.constant 0 : i32
    %dma_wait3A_121 = tpu.memref_slice %arg5[%add3A, %dma_wait3A_119, %dma_wait3A_120] : memref<32x128x1000xf32, #tpu.memory_space<hbm>> -> memref<1x16x1000xf32, #tpu.memory_space<hbm>>
    %dma_wait3A_122 = tpu.memref_squeeze %dma_wait3A_121 : memref<1x16x1000xf32, #tpu.memory_space<hbm>> -> memref<16x1000xf32, #tpu.memory_space<hbm>>
    tpu.wait_dma2 semaphore(%arg19 : memref<!tpu.dma_semaphore, #tpu.memory_space<semaphore_mem>>) src(%arg11 : memref<16x1000xf32, #tpu.memory_space<vmem>>) dst(%dma_wait3A_122 : memref<16x1000xf32, #tpu.memory_space<hbm>>)
    %dma_start3A_123 = arith.constant 48 : i32
    %dma_start3A_124 = arith.constant 0 : i32
    %dma_start3A_125 = tpu.memref_slice %arg5[%add3A, %dma_start3A_123, %dma_start3A_124] : memref<32x128x1000xf32, #tpu.memory_space<hbm>> -> memref<1x16x1000xf32, #tpu.memory_space<hbm>>
    %dma_start3A_126 = tpu.memref_squeeze %dma_start3A_125 : memref<1x16x1000xf32, #tpu.memory_space<hbm>> -> memref<16x1000xf32, #tpu.memory_space<hbm>>
    %dma_start3A_127 = arith.constant 48 : i32
    %dma_start3A_128 = arith.constant 0 : i32
    %dma_start3A_129 = tpu.memref_slice %arg5[%add3A, %dma_start3A_127, %dma_start3A_128] : memref<32x128x1000xf32, #tpu.memory_space<hbm>> -> memref<1x16x1000xf32, #tpu.memory_space<hbm>>
    %dma_start3A_130 = tpu.memref_squeeze %dma_start3A_129 : memref<1x16x1000xf32, #tpu.memory_space<hbm>> -> memref<16x1000xf32, #tpu.memory_space<hbm>>
    tpu.enqueue_dma source(%arg11 : memref<16x1000xf32, #tpu.memory_space<vmem>>) target(%dma_start3A_130 : memref<16x1000xf32, #tpu.memory_space<hbm>>) target_semaphore(%arg19 : memref<!tpu.dma_semaphore, #tpu.memory_space<semaphore_mem>>)
    %dma_start3A_131 = arith.constant 80 : i32
    %dma_start3A_132 = arith.constant 0 : i32
    %dma_start3A_133 = tpu.memref_slice %arg2[%add3A, %dma_start3A_131, %dma_start3A_132] : memref<32x128x1000xf32, #tpu.memory_space<hbm>> -> memref<1x16x1000xf32, #tpu.memory_space<hbm>>
    %dma_start3A_134 = tpu.memref_squeeze %dma_start3A_133 : memref<1x16x1000xf32, #tpu.memory_space<hbm>> -> memref<16x1000xf32, #tpu.memory_space<hbm>>
    %dma_start3A_135 = arith.constant 80 : i32
    %dma_start3A_136 = arith.constant 0 : i32
    %dma_start3A_137 = tpu.memref_slice %arg2[%add3A, %dma_start3A_135, %dma_start3A_136] : memref<32x128x1000xf32, #tpu.memory_space<hbm>> -> memref<1x16x1000xf32, #tpu.memory_space<hbm>>
    %dma_start3A_138 = tpu.memref_squeeze %dma_start3A_137 : memref<1x16x1000xf32, #tpu.memory_space<hbm>> -> memref<16x1000xf32, #tpu.memory_space<hbm>>
    tpu.enqueue_dma source(%dma_start3A_138 : memref<16x1000xf32, #tpu.memory_space<hbm>>) target(%arg11 : memref<16x1000xf32, #tpu.memory_space<vmem>>) target_semaphore(%arg17 : memref<!tpu.dma_semaphore, #tpu.memory_space<semaphore_mem>>)
    %dma_wait3A_139 = arith.constant 64 : i32
    %dma_wait3A_140 = arith.constant 0 : i32
    %dma_wait3A_141 = tpu.memref_slice %arg2[%add3A, %dma_wait3A_139, %dma_wait3A_140] : memref<32x128x1000xf32, #tpu.memory_space<hbm>> -> memref<1x16x1000xf32, #tpu.memory_space<hbm>>
    %dma_wait3A_142 = tpu.memref_squeeze %dma_wait3A_141 : memref<1x16x1000xf32, #tpu.memory_space<hbm>> -> memref<16x1000xf32, #tpu.memory_space<hbm>>
    %dma_wait3A_143 = arith.constant 64 : i32
    %dma_wait3A_144 = arith.constant 0 : i32
    %dma_wait3A_145 = tpu.memref_slice %arg2[%add3A, %dma_wait3A_143, %dma_wait3A_144] : memref<32x128x1000xf32, #tpu.memory_space<hbm>> -> memref<1x16x1000xf32, #tpu.memory_space<hbm>>
    %dma_wait3A_146 = tpu.memref_squeeze %dma_wait3A_145 : memref<1x16x1000xf32, #tpu.memory_space<hbm>> -> memref<16x1000xf32, #tpu.memory_space<hbm>>
    tpu.wait_dma2 semaphore(%arg16 : memref<!tpu.dma_semaphore, #tpu.memory_space<semaphore_mem>>) src(%dma_wait3A_146 : memref<16x1000xf32, #tpu.memory_space<hbm>>) dst(%arg10 : memref<16x1000xf32, #tpu.memory_space<vmem>>)
    %dma_wait3A_147 = arith.constant 32 : i32
    %dma_wait3A_148 = arith.constant 0 : i32
    %dma_wait3A_149 = tpu.memref_slice %arg5[%add3A, %dma_wait3A_147, %dma_wait3A_148] : memref<32x128x1000xf32, #tpu.memory_space<hbm>> -> memref<1x16x1000xf32, #tpu.memory_space<hbm>>
    %dma_wait3A_150 = tpu.memref_squeeze %dma_wait3A_149 : memref<1x16x1000xf32, #tpu.memory_space<hbm>> -> memref<16x1000xf32, #tpu.memory_space<hbm>>
    %dma_wait3A_151 = arith.constant 32 : i32
    %dma_wait3A_152 = arith.constant 0 : i32
    %dma_wait3A_153 = tpu.memref_slice %arg5[%add3A, %dma_wait3A_151, %dma_wait3A_152] : memref<32x128x1000xf32, #tpu.memory_space<hbm>> -> memref<1x16x1000xf32, #tpu.memory_space<hbm>>
    %dma_wait3A_154 = tpu.memref_squeeze %dma_wait3A_153 : memref<1x16x1000xf32, #tpu.memory_space<hbm>> -> memref<16x1000xf32, #tpu.memory_space<hbm>>
    tpu.wait_dma2 semaphore(%arg18 : memref<!tpu.dma_semaphore, #tpu.memory_space<semaphore_mem>>) src(%arg10 : memref<16x1000xf32, #tpu.memory_space<vmem>>) dst(%dma_wait3A_154 : memref<16x1000xf32, #tpu.memory_space<hbm>>)
    %dma_start3A_155 = arith.constant 64 : i32
    %dma_start3A_156 = arith.constant 0 : i32
    %dma_start3A_157 = tpu.memref_slice %arg5[%add3A, %dma_start3A_155, %dma_start3A_156] : memref<32x128x1000xf32, #tpu.memory_space<hbm>> -> memref<1x16x1000xf32, #tpu.memory_space<hbm>>
    %dma_start3A_158 = tpu.memref_squeeze %dma_start3A_157 : memref<1x16x1000xf32, #tpu.memory_space<hbm>> -> memref<16x1000xf32, #tpu.memory_space<hbm>>
    %dma_start3A_159 = arith.constant 64 : i32
    %dma_start3A_160 = arith.constant 0 : i32
    %dma_start3A_161 = tpu.memref_slice %arg5[%add3A, %dma_start3A_159, %dma_start3A_160] : memref<32x128x1000xf32, #tpu.memory_space<hbm>> -> memref<1x16x1000xf32, #tpu.memory_space<hbm>>
    %dma_start3A_162 = tpu.memref_squeeze %dma_start3A_161 : memref<1x16x1000xf32, #tpu.memory_space<hbm>> -> memref<16x1000xf32, #tpu.memory_space<hbm>>
    tpu.enqueue_dma source(%arg10 : memref<16x1000xf32, #tpu.memory_space<vmem>>) target(%dma_start3A_162 : memref<16x1000xf32, #tpu.memory_space<hbm>>) target_semaphore(%arg18 : memref<!tpu.dma_semaphore, #tpu.memory_space<semaphore_mem>>)
    %dma_start3A_163 = arith.constant 96 : i32
    %dma_start3A_164 = arith.constant 0 : i32
    %dma_start3A_165 = tpu.memref_slice %arg2[%add3A, %dma_start3A_163, %dma_start3A_164] : memref<32x128x1000xf32, #tpu.memory_space<hbm>> -> memref<1x16x1000xf32, #tpu.memory_space<hbm>>
    %dma_start3A_166 = tpu.memref_squeeze %dma_start3A_165 : memref<1x16x1000xf32, #tpu.memory_space<hbm>> -> memref<16x1000xf32, #tpu.memory_space<hbm>>
    %dma_start3A_167 = arith.constant 96 : i32
    %dma_start3A_168 = arith.constant 0 : i32
    %dma_start3A_169 = tpu.memref_slice %arg2[%add3A, %dma_start3A_167, %dma_start3A_168] : memref<32x128x1000xf32, #tpu.memory_space<hbm>> -> memref<1x16x1000xf32, #tpu.memory_space<hbm>>
    %dma_start3A_170 = tpu.memref_squeeze %dma_start3A_169 : memref<1x16x1000xf32, #tpu.memory_space<hbm>> -> memref<16x1000xf32, #tpu.memory_space<hbm>>
    tpu.enqueue_dma source(%dma_start3A_170 : memref<16x1000xf32, #tpu.memory_space<hbm>>) target(%arg10 : memref<16x1000xf32, #tpu.memory_space<vmem>>) target_semaphore(%arg16 : memref<!tpu.dma_semaphore, #tpu.memory_space<semaphore_mem>>)
    %dma_wait3A_171 = arith.constant 80 : i32
    %dma_wait3A_172 = arith.constant 0 : i32
    %dma_wait3A_173 = tpu.memref_slice %arg2[%add3A, %dma_wait3A_171, %dma_wait3A_172] : memref<32x128x1000xf32, #tpu.memory_space<hbm>> -> memref<1x16x1000xf32, #tpu.memory_space<hbm>>
    %dma_wait3A_174 = tpu.memref_squeeze %dma_wait3A_173 : memref<1x16x1000xf32, #tpu.memory_space<hbm>> -> memref<16x1000xf32, #tpu.memory_space<hbm>>
    %dma_wait3A_175 = arith.constant 80 : i32
    %dma_wait3A_176 = arith.constant 0 : i32
    %dma_wait3A_177 = tpu.memref_slice %arg2[%add3A, %dma_wait3A_175, %dma_wait3A_176] : memref<32x128x1000xf32, #tpu.memory_space<hbm>> -> memref<1x16x1000xf32, #tpu.memory_space<hbm>>
    %dma_wait3A_178 = tpu.memref_squeeze %dma_wait3A_177 : memref<1x16x1000xf32, #tpu.memory_space<hbm>> -> memref<16x1000xf32, #tpu.memory_space<hbm>>
    tpu.wait_dma2 semaphore(%arg17 : memref<!tpu.dma_semaphore, #tpu.memory_space<semaphore_mem>>) src(%dma_wait3A_178 : memref<16x1000xf32, #tpu.memory_space<hbm>>) dst(%arg11 : memref<16x1000xf32, #tpu.memory_space<vmem>>)
    %dma_wait3A_179 = arith.constant 48 : i32
    %dma_wait3A_180 = arith.constant 0 : i32
    %dma_wait3A_181 = tpu.memref_slice %arg5[%add3A, %dma_wait3A_179, %dma_wait3A_180] : memref<32x128x1000xf32, #tpu.memory_space<hbm>> -> memref<1x16x1000xf32, #tpu.memory_space<hbm>>
    %dma_wait3A_182 = tpu.memref_squeeze %dma_wait3A_181 : memref<1x16x1000xf32, #tpu.memory_space<hbm>> -> memref<16x1000xf32, #tpu.memory_space<hbm>>
    %dma_wait3A_183 = arith.constant 48 : i32
    %dma_wait3A_184 = arith.constant 0 : i32
    %dma_wait3A_185 = tpu.memref_slice %arg5[%add3A, %dma_wait3A_183, %dma_wait3A_184] : memref<32x128x1000xf32, #tpu.memory_space<hbm>> -> memref<1x16x1000xf32, #tpu.memory_space<hbm>>
    %dma_wait3A_186 = tpu.memref_squeeze %dma_wait3A_185 : memref<1x16x1000xf32, #tpu.memory_space<hbm>> -> memref<16x1000xf32, #tpu.memory_space<hbm>>
    tpu.wait_dma2 semaphore(%arg19 : memref<!tpu.dma_semaphore, #tpu.memory_space<semaphore_mem>>) src(%arg11 : memref<16x1000xf32, #tpu.memory_space<vmem>>) dst(%dma_wait3A_186 : memref<16x1000xf32, #tpu.memory_space<hbm>>)
    %dma_start3A_187 = arith.constant 80 : i32
    %dma_start3A_188 = arith.constant 0 : i32
    %dma_start3A_189 = tpu.memref_slice %arg5[%add3A, %dma_start3A_187, %dma_start3A_188] : memref<32x128x1000xf32, #tpu.memory_space<hbm>> -> memref<1x16x1000xf32, #tpu.memory_space<hbm>>
    %dma_start3A_190 = tpu.memref_squeeze %dma_start3A_189 : memref<1x16x1000xf32, #tpu.memory_space<hbm>> -> memref<16x1000xf32, #tpu.memory_space<hbm>>
    %dma_start3A_191 = arith.constant 80 : i32
    %dma_start3A_192 = arith.constant 0 : i32
    %dma_start3A_193 = tpu.memref_slice %arg5[%add3A, %dma_start3A_191, %dma_start3A_192] : memref<32x128x1000xf32, #tpu.memory_space<hbm>> -> memref<1x16x1000xf32, #tpu.memory_space<hbm>>
    %dma_start3A_194 = tpu.memref_squeeze %dma_start3A_193 : memref<1x16x1000xf32, #tpu.memory_space<hbm>> -> memref<16x1000xf32, #tpu.memory_space<hbm>>
    tpu.enqueue_dma source(%arg11 : memref<16x1000xf32, #tpu.memory_space<vmem>>) target(%dma_start3A_194 : memref<16x1000xf32, #tpu.memory_space<hbm>>) target_semaphore(%arg19 : memref<!tpu.dma_semaphore, #tpu.memory_space<semaphore_mem>>)
    %dma_start3A_195 = arith.constant 112 : i32
    %dma_start3A_196 = arith.constant 0 : i32
    %dma_start3A_197 = tpu.memref_slice %arg2[%add3A, %dma_start3A_195, %dma_start3A_196] : memref<32x128x1000xf32, #tpu.memory_space<hbm>> -> memref<1x16x1000xf32, #tpu.memory_space<hbm>>
    %dma_start3A_198 = tpu.memref_squeeze %dma_start3A_197 : memref<1x16x1000xf32, #tpu.memory_space<hbm>> -> memref<16x1000xf32, #tpu.memory_space<hbm>>
    %dma_start3A_199 = arith.constant 112 : i32
    %dma_start3A_200 = arith.constant 0 : i32
    %dma_start3A_201 = tpu.memref_slice %arg2[%add3A, %dma_start3A_199, %dma_start3A_200] : memref<32x128x1000xf32, #tpu.memory_space<hbm>> -> memref<1x16x1000xf32, #tpu.memory_space<hbm>>
    %dma_start3A_202 = tpu.memref_squeeze %dma_start3A_201 : memref<1x16x1000xf32, #tpu.memory_space<hbm>> -> memref<16x1000xf32, #tpu.memory_space<hbm>>
    tpu.enqueue_dma source(%dma_start3A_202 : memref<16x1000xf32, #tpu.memory_space<hbm>>) target(%arg11 : memref<16x1000xf32, #tpu.memory_space<vmem>>) target_semaphore(%arg17 : memref<!tpu.dma_semaphore, #tpu.memory_space<semaphore_mem>>)
    %dma_wait3A_203 = arith.constant 96 : i32
    %dma_wait3A_204 = arith.constant 0 : i32
    %dma_wait3A_205 = tpu.memref_slice %arg2[%add3A, %dma_wait3A_203, %dma_wait3A_204] : memref<32x128x1000xf32, #tpu.memory_space<hbm>> -> memref<1x16x1000xf32, #tpu.memory_space<hbm>>
    %dma_wait3A_206 = tpu.memref_squeeze %dma_wait3A_205 : memref<1x16x1000xf32, #tpu.memory_space<hbm>> -> memref<16x1000xf32, #tpu.memory_space<hbm>>
    %dma_wait3A_207 = arith.constant 96 : i32
    %dma_wait3A_208 = arith.constant 0 : i32
    %dma_wait3A_209 = tpu.memref_slice %arg2[%add3A, %dma_wait3A_207, %dma_wait3A_208] : memref<32x128x1000xf32, #tpu.memory_space<hbm>> -> memref<1x16x1000xf32, #tpu.memory_space<hbm>>
    %dma_wait3A_210 = tpu.memref_squeeze %dma_wait3A_209 : memref<1x16x1000xf32, #tpu.memory_space<hbm>> -> memref<16x1000xf32, #tpu.memory_space<hbm>>
    tpu.wait_dma2 semaphore(%arg16 : memref<!tpu.dma_semaphore, #tpu.memory_space<semaphore_mem>>) src(%dma_wait3A_210 : memref<16x1000xf32, #tpu.memory_space<hbm>>) dst(%arg10 : memref<16x1000xf32, #tpu.memory_space<vmem>>)
    %dma_wait3A_211 = arith.constant 64 : i32
    %dma_wait3A_212 = arith.constant 0 : i32
    %dma_wait3A_213 = tpu.memref_slice %arg5[%add3A, %dma_wait3A_211, %dma_wait3A_212] : memref<32x128x1000xf32, #tpu.memory_space<hbm>> -> memref<1x16x1000xf32, #tpu.memory_space<hbm>>
    %dma_wait3A_214 = tpu.memref_squeeze %dma_wait3A_213 : memref<1x16x1000xf32, #tpu.memory_space<hbm>> -> memref<16x1000xf32, #tpu.memory_space<hbm>>
    %dma_wait3A_215 = arith.constant 64 : i32
    %dma_wait3A_216 = arith.constant 0 : i32
    %dma_wait3A_217 = tpu.memref_slice %arg5[%add3A, %dma_wait3A_215, %dma_wait3A_216] : memref<32x128x1000xf32, #tpu.memory_space<hbm>> -> memref<1x16x1000xf32, #tpu.memory_space<hbm>>
    %dma_wait3A_218 = tpu.memref_squeeze %dma_wait3A_217 : memref<1x16x1000xf32, #tpu.memory_space<hbm>> -> memref<16x1000xf32, #tpu.memory_space<hbm>>
    tpu.wait_dma2 semaphore(%arg18 : memref<!tpu.dma_semaphore, #tpu.memory_space<semaphore_mem>>) src(%arg10 : memref<16x1000xf32, #tpu.memory_space<vmem>>) dst(%dma_wait3A_218 : memref<16x1000xf32, #tpu.memory_space<hbm>>)
    %dma_start3A_219 = arith.constant 96 : i32
    %dma_start3A_220 = arith.constant 0 : i32
    %dma_start3A_221 = tpu.memref_slice %arg5[%add3A, %dma_start3A_219, %dma_start3A_220] : memref<32x128x1000xf32, #tpu.memory_space<hbm>> -> memref<1x16x1000xf32, #tpu.memory_space<hbm>>
    %dma_start3A_222 = tpu.memref_squeeze %dma_start3A_221 : memref<1x16x1000xf32, #tpu.memory_space<hbm>> -> memref<16x1000xf32, #tpu.memory_space<hbm>>
    %dma_start3A_223 = arith.constant 96 : i32
    %dma_start3A_224 = arith.constant 0 : i32
    %dma_start3A_225 = tpu.memref_slice %arg5[%add3A, %dma_start3A_223, %dma_start3A_224] : memref<32x128x1000xf32, #tpu.memory_space<hbm>> -> memref<1x16x1000xf32, #tpu.memory_space<hbm>>
    %dma_start3A_226 = tpu.memref_squeeze %dma_start3A_225 : memref<1x16x1000xf32, #tpu.memory_space<hbm>> -> memref<16x1000xf32, #tpu.memory_space<hbm>>
    tpu.enqueue_dma source(%arg10 : memref<16x1000xf32, #tpu.memory_space<vmem>>) target(%dma_start3A_226 : memref<16x1000xf32, #tpu.memory_space<hbm>>) target_semaphore(%arg18 : memref<!tpu.dma_semaphore, #tpu.memory_space<semaphore_mem>>)
    %dma_wait3A_227 = arith.constant 112 : i32
    %dma_wait3A_228 = arith.constant 0 : i32
    %dma_wait3A_229 = tpu.memref_slice %arg2[%add3A, %dma_wait3A_227, %dma_wait3A_228] : memref<32x128x1000xf32, #tpu.memory_space<hbm>> -> memref<1x16x1000xf32, #tpu.memory_space<hbm>>
    %dma_wait3A_230 = tpu.memref_squeeze %dma_wait3A_229 : memref<1x16x1000xf32, #tpu.memory_space<hbm>> -> memref<16x1000xf32, #tpu.memory_space<hbm>>
    %dma_wait3A_231 = arith.constant 112 : i32
    %dma_wait3A_232 = arith.constant 0 : i32
    %dma_wait3A_233 = tpu.memref_slice %arg2[%add3A, %dma_wait3A_231, %dma_wait3A_232] : memref<32x128x1000xf32, #tpu.memory_space<hbm>> -> memref<1x16x1000xf32, #tpu.memory_space<hbm>>
    %dma_wait3A_234 = tpu.memref_squeeze %dma_wait3A_233 : memref<1x16x1000xf32, #tpu.memory_space<hbm>> -> memref<16x1000xf32, #tpu.memory_space<hbm>>
    tpu.wait_dma2 semaphore(%arg17 : memref<!tpu.dma_semaphore, #tpu.memory_space<semaphore_mem>>) src(%dma_wait3A_234 : memref<16x1000xf32, #tpu.memory_space<hbm>>) dst(%arg11 : memref<16x1000xf32, #tpu.memory_space<vmem>>)
    %dma_wait3A_235 = arith.constant 80 : i32
    %dma_wait3A_236 = arith.constant 0 : i32
    %dma_wait3A_237 = tpu.memref_slice %arg5[%add3A, %dma_wait3A_235, %dma_wait3A_236] : memref<32x128x1000xf32, #tpu.memory_space<hbm>> -> memref<1x16x1000xf32, #tpu.memory_space<hbm>>
    %dma_wait3A_238 = tpu.memref_squeeze %dma_wait3A_237 : memref<1x16x1000xf32, #tpu.memory_space<hbm>> -> memref<16x1000xf32, #tpu.memory_space<hbm>>
    %dma_wait3A_239 = arith.constant 80 : i32
    %dma_wait3A_240 = arith.constant 0 : i32
    %dma_wait3A_241 = tpu.memref_slice %arg5[%add3A, %dma_wait3A_239, %dma_wait3A_240] : memref<32x128x1000xf32, #tpu.memory_space<hbm>> -> memref<1x16x1000xf32, #tpu.memory_space<hbm>>
    %dma_wait3A_242 = tpu.memref_squeeze %dma_wait3A_241 : memref<1x16x1000xf32, #tpu.memory_space<hbm>> -> memref<16x1000xf32, #tpu.memory_space<hbm>>
    tpu.wait_dma2 semaphore(%arg19 : memref<!tpu.dma_semaphore, #tpu.memory_space<semaphore_mem>>) src(%arg11 : memref<16x1000xf32, #tpu.memory_space<vmem>>) dst(%dma_wait3A_242 : memref<16x1000xf32, #tpu.memory_space<hbm>>)
    %dma_start3A_243 = arith.constant 112 : i32
    %dma_start3A_244 = arith.constant 0 : i32
    %dma_start3A_245 = tpu.memref_slice %arg5[%add3A, %dma_start3A_243, %dma_start3A_244] : memref<32x128x1000xf32, #tpu.memory_space<hbm>> -> memref<1x16x1000xf32, #tpu.memory_space<hbm>>
    %dma_start3A_246 = tpu.memref_squeeze %dma_start3A_245 : memref<1x16x1000xf32, #tpu.memory_space<hbm>> -> memref<16x1000xf32, #tpu.memory_space<hbm>>
    %dma_start3A_247 = arith.constant 112 : i32
    %dma_start3A_248 = arith.constant 0 : i32
    %dma_start3A_249 = tpu.memref_slice %arg5[%add3A, %dma_start3A_247, %dma_start3A_248] : memref<32x128x1000xf32, #tpu.memory_space<hbm>> -> memref<1x16x1000xf32, #tpu.memory_space<hbm>>
    %dma_start3A_250 = tpu.memref_squeeze %dma_start3A_249 : memref<1x16x1000xf32, #tpu.memory_space<hbm>> -> memref<16x1000xf32, #tpu.memory_space<hbm>>
    tpu.enqueue_dma source(%arg11 : memref<16x1000xf32, #tpu.memory_space<vmem>>) target(%dma_start3A_250 : memref<16x1000xf32, #tpu.memory_space<hbm>>) target_semaphore(%arg19 : memref<!tpu.dma_semaphore, #tpu.memory_space<semaphore_mem>>)
    %dma_wait3A_251 = arith.constant 96 : i32
    %dma_wait3A_252 = arith.constant 0 : i32
    %dma_wait3A_253 = tpu.memref_slice %arg5[%add3A, %dma_wait3A_251, %dma_wait3A_252] : memref<32x128x1000xf32, #tpu.memory_space<hbm>> -> memref<1x16x1000xf32, #tpu.memory_space<hbm>>
    %dma_wait3A_254 = tpu.memref_squeeze %dma_wait3A_253 : memref<1x16x1000xf32, #tpu.memory_space<hbm>> -> memref<16x1000xf32, #tpu.memory_space<hbm>>
    %dma_wait3A_255 = arith.constant 96 : i32
    %dma_wait3A_256 = arith.constant 0 : i32
    %dma_wait3A_257 = tpu.memref_slice %arg5[%add3A, %dma_wait3A_255, %dma_wait3A_256] : memref<32x128x1000xf32, #tpu.memory_space<hbm>> -> memref<1x16x1000xf32, #tpu.memory_space<hbm>>
    %dma_wait3A_258 = tpu.memref_squeeze %dma_wait3A_257 : memref<1x16x1000xf32, #tpu.memory_space<hbm>> -> memref<16x1000xf32, #tpu.memory_space<hbm>>
    tpu.wait_dma2 semaphore(%arg18 : memref<!tpu.dma_semaphore, #tpu.memory_space<semaphore_mem>>) src(%arg10 : memref<16x1000xf32, #tpu.memory_space<vmem>>) dst(%dma_wait3A_258 : memref<16x1000xf32, #tpu.memory_space<hbm>>)
    %dma_wait3A_259 = arith.constant 112 : i32
    %dma_wait3A_260 = arith.constant 0 : i32
    %dma_wait3A_261 = tpu.memref_slice %arg5[%add3A, %dma_wait3A_259, %dma_wait3A_260] : memref<32x128x1000xf32, #tpu.memory_space<hbm>> -> memref<1x16x1000xf32, #tpu.memory_space<hbm>>
    %dma_wait3A_262 = tpu.memref_squeeze %dma_wait3A_261 : memref<1x16x1000xf32, #tpu.memory_space<hbm>> -> memref<16x1000xf32, #tpu.memory_space<hbm>>
    %dma_wait3A_263 = arith.constant 112 : i32
    %dma_wait3A_264 = arith.constant 0 : i32
    %dma_wait3A_265 = tpu.memref_slice %arg5[%add3A, %dma_wait3A_263, %dma_wait3A_264] : memref<32x128x1000xf32, #tpu.memory_space<hbm>> -> memref<1x16x1000xf32, #tpu.memory_space<hbm>>
    %dma_wait3A_266 = tpu.memref_squeeze %dma_wait3A_265 : memref<1x16x1000xf32, #tpu.memory_space<hbm>> -> memref<16x1000xf32, #tpu.memory_space<hbm>>
    tpu.wait_dma2 semaphore(%arg19 : memref<!tpu.dma_semaphore, #tpu.memory_space<semaphore_mem>>) src(%arg11 : memref<16x1000xf32, #tpu.memory_space<vmem>>) dst(%dma_wait3A_266 : memref<16x1000xf32, #tpu.memory_space<hbm>>)
    return
  }
}

</mosaic_0001>

<sc_bundles>
// kernel: kernel.3.cloned.1.call-start
scs
__scs_entry_jumppad:
0x0: {  	(pc) =	sbr.rel $0x88, $3  }
0x1: {  	(tag) =	ssettag $0x0;
	lr =	simm.s32 $0x1  }
0x2: {  	[smem:$0x3F9E] =	sst lr;
	_ =	strace $0xD0000000  }
0x3: {  	_ = 	snop  }
0x4: {  	_ = 	snop  }
0x5: {  	_ = 	snop  }
0x6: {  	_ = 	snop  }
0x7: {  	_ = 	snop  }
__scs_overlays_trampoline_lowered:
0x8: {  	[smem:$0x3FAD] =	sst s0  }
0x9: {  	[smem:$0x3FAE] =	sst s1  }
0xa: {  	[smem:$0x3FAF] =	sst s2  }
0xb: {  	[smem:$0x3FB0] =	sst s3  }
0xc: {  	[smem:$0x3FB1] =	sst s4  }
0xd: {  	[smem:$0x3FB2] =	sst s5  }
0xe: {  	[smem:$0x3FB3] =	sst s6  }
0xf: {  	[smem:$0x3FB4] =	sst s7  }
0x10: {  	[smem:$0x3FB5] =	sst s8  }
0x11: {  	[smem:$0x3FB6] =	sst s9;
	s0 =	simm.s32 @!p0 $0x0  }
0x12: {  	s1 =	sld [smem:$0x3F9C];
	s0 =	simm.s32 @p0 $0x1  }
0x13: {  	[smem:$0x3FB7] =	sst s0;
	s0 =	simm.s32 @!p1 $0x0  }
0x14: {  	s2 =	sld [smem:$0x3F9B];
	s0 =	simm.s32 @p1 $0x1  }
0x15: {  	[smem:$0x3FB8] =	sst s0;
	s0 =	simm.s32 @!p2 $0x0  }
0x16: {  	s3 =	sld [smem:$0x3FDB];
	s0 =	simm.s32 @p2 $0x1  }
0x17: {  	s4 =	simm.s32 $0x1BF5;
	[smem:$0x3FBA] =	sst s0  }
0x18: {  	s0 =	sld [smem:$0x3F9D];
	_ =	swait.ge [sflag:s4], $0x0  }
0x19: {  	s7 =	sld [smem:$0x3F9E]  }
0x1a: {  	s8 =	sadd.s32 $0xFFFFE003, lr  }
0x1b: {  	s9 =	sadd.s32 $0xFFFFFEF7, lr;
	s5 =	simm.s32 $0xFFFFFFFF;
	p2 =	slt.u32 s8, $0xFFFFF086  }
0x1c: {  	p1 =	slt.u32 s9, $0xF7A;
	s5 =	simm.s32 @!p2 $0x0  }
0x1d: {  	s5 =	simm.s32 @p1 $0x1;
	p0 =	seq.s32 s7, s2  }
0x1e: {  	s7 =	smul.u32 @!p0 $0xF7A, s2;
	p2 =	seq.s32 @!p0 s5, $0x0  }
0x1f: {  	s9 =	smul.u32 $0xF7A, s1;
	s8 =	simm.s32 @!p0 $0x1BF5;
	p2 =	por !p2, p0  }
0x20: {  	[sflag:s8] =	ssyncset.s32 @!p0 $0xFFFFF086;
	s6 =	sadd.s32 @!p0 s3, s7;
	s7 =	simm.s32 @!p0 $0x108  }
0x21: {  	s3 =	sadd.s32 s3, s9;
	s6 =	sadd.s32 @!p0 $0x88, s6;
	s7 =	simm.s32 @p2 $0x1082  }
0x22: {  	[simem:s7], [sflag:s8] =	dma.local @!p0 [hbm:s6], $0xF7A  }
0x23: {  	s9 =	sor.u32 $0xD0000000, s2;
	s6 =	simm.s32 $0x108;
	_ =	swait.ge @!p0 [sflag:s8], $0x0  }
0x24: {  	s3 =	sadd.s32 $0x88, s3;
	s6 =	simm.s32 @!p1 $0x1082;
	[sflag:s4] =	ssyncset.s32 $0xFFFFF086  }
0x25: {  	[simem:s6], [sflag:s4] =	dma.local [hbm:s3], $0xF7A  }
0x26: {  	[smem:$0x3F9E] =	sst s1;
	(tag) =	ssettag s2;
	_ =	strace s9  }
0x27: {  	s1 =	sld [smem:$0x3FAE]  }
0x28: {  	s2 =	sld [smem:$0x3FAF]  }
0x29: {  	s4 =	sld [smem:$0x3FB1]  }
0x2a: {  	p0 =	seq.s32 s5, $0x0;
	s5 =	sld [smem:$0x3FB2]  }
0x2b: {  	s6 =	sld [smem:$0x3FB3]  }
0x2c: {  	s7 =	sld [smem:$0x3FB4]  }
0x2d: {  	s3 =	simm.s32 $0x108;
	s8 =	sld [smem:$0x3FB5]  }
0x2e: {  	s3 =	simm.s32 @!p0 $0x1082;
	s9 =	sld [smem:$0x3FB6]  }
0x2f: {  	lr =	sadd.s32 s0, s3;
	s0 =	sld [smem:$0x3FAD]  }
0x30: {  	s3 =	sld [smem:$0x3FB0]  }
0x31: {  	[smem:$0x3FB9] =	sst s10  }
0x32: {  	s10 =	sld [smem:$0x3FB7];
	_ =	sdelay $0x3  }
0x33: {  	p0 =	seq.s32 s10, $0x1;
	s10 =	sld [smem:$0x3FB9];
	_ =	sdelay $0x3  }
0x34: {  	[smem:$0x3FB9] =	sst s10  }
0x35: {  	s10 =	sld [smem:$0x3FB8];
	_ =	sdelay $0x3  }
0x36: {  	p1 =	seq.s32 s10, $0x1;
	s10 =	sld [smem:$0x3FB9];
	_ =	sdelay $0x3  }
0x37: {  	[smem:$0x3FB9] =	sst s10  }
0x38: {  	s10 =	sld [smem:$0x3FBA]  }
0x39: {  	_ = 	snop;
	(pc) =	sbr.ind lr, $3  }
0x3a: {  	_ = 	snop  }
0x3b: {  	_ = 	snop  }
0x3c: {  	p2 =	seq.s32 s10, $0x1;
	s10 =	sld [smem:$0x3FB9]  }
0x3d: {  	_ =	shalt  }
0x3e: {  	_ =	shalt  }
0x3f: {  	_ =	shalt  }
0x40: {  	_ =	shalt  }
0x41: {  	_ =	shalt  }
0x42: {  	_ =	shalt  }
0x43: {  	_ =	shalt  }
0x44: {  	_ =	shalt  }
0x45: {  	_ =	shalt  }
0x46: {  	_ =	shalt  }
0x47: {  	_ =	shalt  }
0x48: {  	_ =	shalt  }
0x49: {  	_ =	shalt  }
0x4a: {  	_ =	shalt  }
0x4b: {  	_ =	shalt  }
0x4c: {  	_ =	shalt  }
0x4d: {  	_ =	shalt  }
0x4e: {  	_ =	shalt  }
0x4f: {  	_ =	shalt  }
0x50: {  	_ =	shalt  }
0x51: {  	_ =	shalt  }
0x52: {  	_ =	shalt  }
0x53: {  	_ =	shalt  }
0x54: {  	_ =	shalt  }
0x55: {  	_ =	shalt  }
0x56: {  	_ =	shalt  }
0x57: {  	_ =	shalt  }
0x58: {  	_ =	shalt  }
0x59: {  	_ =	shalt  }
0x5a: {  	_ =	shalt  }
0x5b: {  	_ =	shalt  }
0x5c: {  	_ =	shalt  }
0x5d: {  	_ =	shalt  }
0x5e: {  	_ =	shalt  }
0x5f: {  	_ =	shalt  }
0x60: {  	_ =	shalt  }
0x61: {  	_ =	shalt  }
0x62: {  	_ =	shalt  }
0x63: {  	_ =	shalt  }
0x64: {  	_ =	shalt  }
0x65: {  	_ =	shalt  }
0x66: {  	_ =	shalt  }
0x67: {  	_ =	shalt  }
0x68: {  	_ =	shalt  }
0x69: {  	_ =	shalt  }
0x6a: {  	_ =	shalt  }
0x6b: {  	_ =	shalt  }
0x6c: {  	_ =	shalt  }
0x6d: {  	_ =	shalt  }
0x6e: {  	_ =	shalt  }
0x6f: {  	_ =	shalt  }
0x70: {  	_ =	shalt  }
0x71: {  	_ =	shalt  }
0x72: {  	_ =	shalt  }
0x73: {  	_ =	shalt  }
0x74: {  	_ =	shalt  }
0x75: {  	_ =	shalt  }
0x76: {  	_ =	shalt  }
0x77: {  	_ =	shalt  }
0x78: {  	_ =	shalt  }
0x79: {  	_ =	shalt  }
0x7a: {  	_ =	shalt  }
0x7b: {  	_ =	shalt  }
0x7c: {  	_ =	shalt  }
0x7d: {  	_ =	shalt  }
0x7e: {  	_ =	shalt  }
0x7f: {  	_ =	shalt  }
0x80: {  	_ =	shalt  }
0x81: {  	_ =	shalt  }
0x82: {  	_ =	shalt  }
0x83: {  	_ =	shalt  }
0x84: {  	_ =	shalt  }
0x85: {  	_ =	shalt  }
0x86: {  	_ =	shalt  }
0x87: {  	_ =	shalt  }
.Lfunc_end0:
.L_simem_size_0:
called_computation_lowered:
.L_overlay_start_0:
0x88: {  	s2 =	sld [smem:$0x3FD9]  }
0x89: {  	s3 =	sld [smem:$0x3FFE];
	_ =	sdelay $0x1  }
0x8a: {  	s1 =	srdreg.scid  }
0x8b: {  	s0 =	sand.u32 $0x1, s1  }
0x8c: {  	s17 =	sshll.u32 s0, $0xA;
	s2 =	sadd.s32 s3, s2  }
0x8d: {  	s2 =	sadd.s32 s2, s17  }
0x8e: {  	[smem:$0x3FC5] =	sst s2  }
0x8f: {  	_ = 	snop  }
0x90: {  	s2 =	sld [smem:$0x3FC8]  }
0x91: {  	s18 =	sld [smem:$0x3FD0];
	(tm) =	ssettm $0x1  }
0x92: {  	s4 =	sld [smem:$0x3FFB];
	_ =	sdelay $0x3  }
0x93: {  	_ =	strace s4  }
0x94: {  	s4 =	sld [smem:$0x3FFC];
	_ =	sdelay $0x3  }
0x95: {  	_ =	strace s4  }
0x96: {  	s4 =	sld [smem:$0x3FFD];
	_ =	sdelay $0x3  }
0x97: {  	_ =	strace s4  }
0x98: {  	_ =	strace $0x8FFFFFFF  }
0x99: {  	s19 =	sld [smem:$0x3FDB];
	_ =	sdelay $0x1  }
0x9a: {  	s5 =	simm.s32 $_scs_section_size  }
0x9b: {  	s6 =	simm.s32 $_size__tile_overlayer_lowered;
	s7 =	simm.s32 $_tile_overlayer_lowered  }
0x9c: {  	s22 =	simm.s32 $0x1BFF;
	s21 =	sshll.u32 s7, $0x1;
	s4 =	sadd.s32 s5, s19  }
0x9d: {  	s8 =	simm.s32 $0x0;
	s20 =	sshll.u32 s6, $0x1;
	s6 =	sadd.s32 s21, s4  }
0x9e: {  	[timem:s8], [sflag:s22] =	dma.local [hbm:s6], s20  }
0x9f: {  	_ =	swait.ge [sflag:s22], s20  }
0xa0: {  	s5 =	ssub.s32 $0x0, s20;
	[sflag:s22] =	ssyncset.done $0x0  }
0xa1: {  	[sflag:s22] =	ssyncadd.s32 s5;
	_ =	sdelay $0x1  }
0xa2: {  	s23 =	simm.s32 $0x1B8B  }
0xa3: {  	_ =	swait.ge [sflag:s23], $0x1  }
0xa4: {  	[sflag:s23] =	ssyncset.done $0x0  }
0xa5: {  	s25 =	simm.s32 $0x1B8E;
	s24 =	sld [smem:$0x3FFE];
	[sflag:s23] =	ssyncadd.s32 $0xFFFFFFFF  }
0xa6: {  	s26 =	simm.s32 $execute0_lowered;
	[smem:$0x3FD2] =	sst s25  }
0xa7: {  	s6 =	sshll.u32 s26, $0x1;
	_ =	strace $0x80000046;
	[dreg:$0x1] =	wrdreg $0xFFFFFFFF  }
0xa8: {  	s28 =	simm.s32 $_size_execute0_lowered;
	s4 =	sadd.s32 s4, s6;
	[dreg:$0x0] =	wrdreg $0x0  }
0xa9: {  	s6 =	sshll.u32 s28, $0x1;
	[dreg:$0x2] =	wrdreg s4  }
0xaa: {  	[dreg:$0x3] =	wrdreg s6  }
0xab: {  	[dreg:$0x4] =	wrdreg $0xC0  }
0xac: {  	_ =	task [dreg:s8], $0x5FFFF  }
0xad: {  	[dreg:$0x1] =	wrdreg $0xFFFFFFFF  }
0xae: {  	[dreg:$0x0] =	wrdreg $0x60  }
0xaf: {  	[dreg:$0x2] =	wrdreg s24  }
0xb0: {  	[dreg:$0x3] =	wrdreg s2  }
0xb1: {  	[dreg:$0x4] =	wrdreg s18  }
0xb2: {  	[dreg:$0x5] =	wrdreg $0x9  }
0xb3: {  	_ =	task.clear_ibuf [dreg:s8], $0x6FFFF;
	_ =	strace $0x90000046  }
0xb4: {  	s29 =	simm.s32 $0x9;
	_ =	strace $0x80000048  }
0xb5: {  	_ =	swait.ge [sflag:s29], $0x1  }
0xb6: {  	[sflag:s29] =	ssyncadd.s32 $0xFFFFFFFF  }
0xb7: {  	_ =	strace $0x90000048  }
0xb8: {  	_ =	sfence  }
0xb9: {  	s30 =	sld [smem:$0x0];
	_ =	sdelay $0x2  }
0xba: {  	s31 =	sshll.u32 s1, $0xD;
	s1 =	sshrl.u32 s1, $0x2  }
0xbb: {  	s3 =	sand.u32 $0x4000, s31;
	s1 =	sadd.s32 s1, s30  }
0xbc: {  	s0 =	sor.u32 s3, s0;
	s1 =	sshll.u32 s1, $0x11  }
0xbd: {  	s0 =	sor.u32 s1, s0  }
0xbe: {  	s0 =	sadd.s32 $0x8F2B, s0  }
0xbf: {  	[sflag:s0] =	ssyncadd.remote.s32 $0x1  }
0xc0: {  	_ =	sfence.sel $0xFFFF  }
0xc1: {  	[dreg:$0x0] =	wrdreg $0xFFFFFFFF;
	(pc) =	sbr.abs _section_cstart, $3  }
0xc2: {  	[dreg:$0x1] =	wrdreg $0xFFFFFFFF  }
0xc3: {  	_ =	task.clear_ibuf [dreg:s8], $0x2FFFF;
	_ =	strace $0x9FFFFFFF  }
0xc4: {  	(tm) =	ssettm $0x7FFFFFFF  }
0xc5: {  	_ =	shalt  }
tec
execute0_lowered:
.L_overlay_start_1:
0x0: {  	(tag) =	ssettag $0x1  }
0x1: {  	s0 =	srdreg.scid  }
0x2: {  	s0 =	sand.u32 $0x1, s0  }
0x3: {  	s1 =	rddreg [dreg:$0x0];
	s5 =	stileid.u32;
	s2 =	sshll.u32 s0, $0x4  }
0x4: {  	s4 =	simm.s32 $0x0;
	s3 =	ssub.s32 $0x2, s0;
	s0 =	sor.u32 s5, s2  }
0x5: {  	s22 =	sadd.s32 $0x600, s1;
	s1 =	sadd.s32 $0x80600, s1;
	s17 =	sshll.u32 s0, $0xE  }
0x6: {  	p0 =	seq.s32 s0, $0x1F;
	s24 =	sor.u32 $0x800, s17;
	s6 =	sadd.s32 s22, s17  }
0x7: {  	s11 =	sor.u32 $0x1000, s17;
	s7 =	sadd.s32 s1, s17;
	s13 =	sor.u32 $0x1800, s17  }
0x8: {  	s25 =	sor.u32 $0x2000, s17;
	s18 =	sor.u32 $0x2800, s17;
	s19 =	sor.u32 $0x3000, s17  }
0x9: {  	s26 =	sor.u32 $0x3800, s17;
	s8 =	sadd.s32 s22, s11;
	s9 =	sadd.s32 s1, s24  }
0xa: {  	s10 =	sadd.s32 s22, s13;
	s11 =	sadd.s32 s1, s11;
	s13 =	sadd.s32 s1, s13  }
0xb: {  	s15 =	sadd.s32 s1, s25;
	s16 =	sadd.s32 s22, s19;
	s17 =	sadd.s32 s1, s18  }
0xc: {  	s19 =	sadd.s32 s1, s19;
	s20 =	sadd.s32 s1, s26;
	s1 =	simm.s32 @!p0 $0x0  }
0xd: {  	[smem:$0x7FF] =	sst s4;
	s1 =	simm.s32 @p0 $0x1;
	p0 =	seq.s32 s0, $0x1E  }
0xe: {  	_ =	strace $0x80000047;
	[smem:$0x7DE] =	sst s1;
	s1 =	simm.s32 @!p0 $0x0  }
0xf: {  	s1 =	simm.s32 @p0 $0x1;
	p0 =	seq.s32 s0, $0x1D  }
0x10: {  	[smem:$0x7DF] =	sst s1;
	s1 =	simm.s32 @!p0 $0x0  }
0x11: {  	s1 =	simm.s32 @p0 $0x1;
	p0 =	seq.s32 s0, $0x1C  }
0x12: {  	[smem:$0x7E0] =	sst s1;
	s1 =	simm.s32 @!p0 $0x0  }
0x13: {  	s1 =	simm.s32 @p0 $0x1;
	p0 =	seq.s32 s0, $0x1B  }
0x14: {  	[smem:$0x7E1] =	sst s1;
	s1 =	simm.s32 @!p0 $0x0  }
0x15: {  	s1 =	simm.s32 @p0 $0x1;
	p0 =	seq.s32 s0, $0x1A  }
0x16: {  	[smem:$0x7E2] =	sst s1;
	s1 =	simm.s32 @!p0 $0x0  }
0x17: {  	s1 =	simm.s32 @p0 $0x1;
	p0 =	seq.s32 s0, $0x19  }
0x18: {  	[smem:$0x7E3] =	sst s1;
	s1 =	simm.s32 @!p0 $0x0  }
0x19: {  	s1 =	simm.s32 @p0 $0x1;
	p0 =	seq.s32 s0, $0x18  }
0x1a: {  	[smem:$0x7E4] =	sst s1;
	s1 =	simm.s32 @!p0 $0x0  }
0x1b: {  	s1 =	simm.s32 @p0 $0x1;
	p0 =	seq.s32 s0, $0x17  }
0x1c: {  	[smem:$0x7E5] =	sst s1;
	s1 =	simm.s32 @!p0 $0x0  }
0x1d: {  	s1 =	simm.s32 @p0 $0x1;
	p0 =	seq.s32 s0, $0x16  }
0x1e: {  	[smem:$0x7E6] =	sst s1;
	s1 =	simm.s32 @!p0 $0x0  }
0x1f: {  	s1 =	simm.s32 @p0 $0x1;
	p0 =	seq.s32 s0, $0x15  }
0x20: {  	[smem:$0x7E7] =	sst s1;
	s1 =	simm.s32 @!p0 $0x0  }
0x21: {  	s1 =	simm.s32 @p0 $0x1;
	p0 =	seq.s32 s0, $0x14  }
0x22: {  	[smem:$0x7E8] =	sst s1;
	s1 =	simm.s32 @!p0 $0x0  }
0x23: {  	s1 =	simm.s32 @p0 $0x1;
	p0 =	seq.s32 s0, $0x13  }
0x24: {  	[smem:$0x7E9] =	sst s1;
	s1 =	simm.s32 @!p0 $0x0  }
0x25: {  	s1 =	simm.s32 @p0 $0x1;
	p0 =	seq.s32 s0, $0x12  }
0x26: {  	[smem:$0x7EA] =	sst s1;
	s1 =	simm.s32 @!p0 $0x0  }
0x27: {  	s1 =	simm.s32 @p0 $0x1;
	p0 =	seq.s32 s0, $0x11  }
0x28: {  	[smem:$0x7EB] =	sst s1;
	s1 =	simm.s32 @!p0 $0x0  }
0x29: {  	s1 =	simm.s32 @p0 $0x1;
	p0 =	seq.s32 s0, $0x10  }
0x2a: {  	[smem:$0x7EC] =	sst s1;
	s1 =	simm.s32 @!p0 $0x0  }
0x2b: {  	s1 =	simm.s32 @p0 $0x1;
	p0 =	seq.s32 s0, $0xF  }
0x2c: {  	[smem:$0x7ED] =	sst s1;
	s1 =	simm.s32 @!p0 $0x0  }
0x2d: {  	s1 =	simm.s32 @p0 $0x1;
	p0 =	seq.s32 s0, $0xE  }
0x2e: {  	[smem:$0x7EE] =	sst s1;
	s1 =	simm.s32 @!p0 $0x0  }
0x2f: {  	s1 =	simm.s32 @p0 $0x1;
	p0 =	seq.s32 s0, $0xD  }
0x30: {  	[smem:$0x7EF] =	sst s1;
	s1 =	simm.s32 @!p0 $0x0  }
0x31: {  	s1 =	simm.s32 @p0 $0x1;
	p0 =	seq.s32 s0, $0xC  }
0x32: {  	[smem:$0x7F0] =	sst s1;
	s1 =	simm.s32 @!p0 $0x0  }
0x33: {  	s1 =	simm.s32 @p0 $0x1;
	p0 =	seq.s32 s0, $0xB  }
0x34: {  	[smem:$0x7F1] =	sst s1;
	s1 =	simm.s32 @!p0 $0x0  }
0x35: {  	s1 =	simm.s32 @p0 $0x1;
	p0 =	seq.s32 s0, $0xA  }
0x36: {  	[smem:$0x7F2] =	sst s1;
	s1 =	simm.s32 @!p0 $0x0  }
0x37: {  	s1 =	simm.s32 @p0 $0x1;
	p0 =	seq.s32 s0, $0x9  }
0x38: {  	[smem:$0x7F3] =	sst s1;
	s1 =	simm.s32 @!p0 $0x0  }
0x39: {  	s1 =	simm.s32 @p0 $0x1;
	p0 =	seq.s32 s0, $0x8  }
0x3a: {  	[smem:$0x7F4] =	sst s1;
	s1 =	simm.s32 @!p0 $0x0  }
0x3b: {  	s1 =	simm.s32 @p0 $0x1;
	p0 =	seq.s32 s0, $0x7  }
0x3c: {  	s28 =	simm.s32 $0x1400;
	[smem:$0x7F5] =	sst s1;
	s1 =	simm.s32 @!p0 $0x0  }
0x3d: {  	s29 =	simm.s32 $0x3;
	s1 =	simm.s32 @p0 $0x1;
	p0 =	seq.s32 s0, $0x6  }
0x3e: {  	s30 =	simm.s32 $0x4;
	[smem:$0x7F6] =	sst s1;
	s1 =	simm.s32 @!p0 $0x0  }
0x3f: {  	s31 =	simm.s32 $0x5;
	s1 =	simm.s32 @p0 $0x1;
	p0 =	seq.s32 s0, $0x5  }
0x40: {  	s23 =	sshrl.u32 s3, $0x1;
	[smem:$0x7F7] =	sst s1;
	s1 =	simm.s32 @!p0 $0x0  }
0x41: {  	s3 =	ssub.s32 s3, s23;
	s1 =	simm.s32 @p0 $0x1;
	p0 =	seq.s32 s0, $0x4  }
0x42: {  	s23 =	simm.s32 $0x5480;
	[smem:$0x7F8] =	sst s1;
	s1 =	simm.s32 @!p0 $0x0  }
0x43: {  	s21 =	smax.u32 s3, $0x1;
	s1 =	simm.s32 @p0 $0x1;
	p0 =	seq.s32 s0, $0x3  }
0x44: {  	s3 =	simm.s32 $0x0;
	[smem:$0x7F9] =	sst s1;
	s1 =	simm.s32 @!p0 $0x0  }
0x45: {  	[dreg:$0x4] =	wrdreg s6;
	s1 =	simm.s32 @p0 $0x1;
	p0 =	seq.s32 s0, $0x2  }
0x46: {  	s6 =	sadd.s32 s22, s24;
	[smem:$0x7FA] =	sst s1;
	s1 =	simm.s32 @!p0 $0x0  }
0x47: {  	s12 =	sadd.s32 s22, s25;
	s1 =	simm.s32 @p0 $0x1;
	p0 =	seq.s32 s0, $0x1  }
0x48: {  	s14 =	sadd.s32 s22, s18;
	[smem:$0x7FB] =	sst s1;
	s1 =	simm.s32 @!p0 $0x0  }
0x49: {  	s18 =	sadd.s32 s22, s26;
	s1 =	simm.s32 @p0 $0x1;
	p0 =	seq.s32 s0, $0x0  }
0x4a: {  	s22 =	simm.s32 $0x1000;
	s24 =	simm.s32 $0x9480;
	s0 =	simm.s32 @!p0 $0x0  }
0x4b: {  	s25 =	simm.s32 $0x1;
	[smem:$0x7FC] =	sst s1;
	s0 =	simm.s32 @p0 $0x1  }
0x4c: {  	v0 =	vimm.s32 $0x7;
	v1 =	vimm.s32 $0x0;
	s26 =	simm.s32 $0x2;
	[smem:$0x7FD] =	sst s0;
	s0 =	simm.s32 $0x6  }
.LBB2_1:
0x4d: {  	s1 =	rddreg [dreg:$0x1]  }
0x4e: {  	[tilespmem:s4], [sflag:$0x1] =	stream.linear.gather [hbm4b:s1+s4], $0x1000, $0x38;
	[tilespmem:$0xD480] =	vst v63  }
0x4f: {  	s2 =	rddreg [dreg:$0x2]  }
0x50: {  	[tilespmem:s22], [sflag:$0x2] =	stream.linear.gather [hbm4b:s2+s4], $0x400, $0x38;
	[tilespmem:$0xD480] =	vst v63  }
0x51: {  	s5 =	rddreg [dreg:$0x4]  }
0x52: {  	[tilespmem:s23], [sflag:$0x3] =	stream.linear.gather [hbm4b:s5+s4], $0x4000, $0x38;
	[tilespmem:$0xD480] =	vst v63  }
0x53: {  	_ = 	snop  }
0x54: {  	[tilespmem:s24], [sflag:$0x4] =	stream.linear.gather [hbm4b:s6+s4], $0x4000, $0x38;
	[tilespmem:$0xD480] =	vst v63  }
0x55: {  	_ =	swait.ge [sflag:s25], $0x1000  }
0x56: {  	[sflag:s25] =	ssyncset.done $0x0  }
0x57: {  	[sflag:s25] =	ssyncadd.s32 $0xFFFFF000  }
0x58: {  	_ =	swait.ge [sflag:s26], $0x400  }
0x59: {  	[sflag:s26] =	ssyncset.done $0x0  }
0x5a: {  	s1 =	simm.s32 $0x0;
	[sflag:s26] =	ssyncadd.s32 $0xFFFFFC00  }
0x5b: {  	v3 =	vld [tilespmem:s1+$0xF80]  }
0x5c: {  	v4 =	vld [tilespmem:s1+$0xF00]  }
0x5d: {  	v5 =	vld [tilespmem:s1+$0xE80]  }
0x5e: {  	v6 =	vld [tilespmem:s1+$0xE00]  }
0x5f: {  	v7 =	vld [tilespmem:s1+$0xD80]  }
0x60: {  	v8 =	vld [tilespmem:s1+$0xD00]  }
0x61: {  	v9 =	vld [tilespmem:s1+$0xC80]  }
0x62: {  	v10 =	vld [tilespmem:s1+$0xC00]  }
0x63: {  	v11 =	vld [tilespmem:s1+$0xB80]  }
0x64: {  	v12 =	vld [tilespmem:s1+$0xB00]  }
0x65: {  	v13 =	vld [tilespmem:s1+$0xA80]  }
0x66: {  	v14 =	vld [tilespmem:s1+$0xA00]  }
0x67: {  	v15 =	vld [tilespmem:s1+$0x980]  }
0x68: {  	v16 =	vld [tilespmem:s1+$0x900]  }
0x69: {  	v17 =	vld [tilespmem:s1+$0x880]  }
0x6a: {  	s5 =	sld [smem:$0x7F9];
	v18 =	vld [tilespmem:s1+$0x800]  }
0x6b: {  	v19 =	vld [tilespmem:s1+$0x780]  }
0x6c: {  	v21 =	vld [tilespmem:s1+$0x700]  }
0x6d: {  	v23 =	vld [tilespmem:s1+$0x680];
	p1 =	seq.s32 s5, $0x1;
	s5 =	sld [smem:$0x7FA]  }
0x6e: {  	v25 =	vld [tilespmem:s1+$0x600]  }
0x6f: {  	v27 =	vld [tilespmem:s1+$0x580]  }
0x70: {  	v31 =	vld [tilespmem:s1+$0x500];
	p2 =	seq.s32 s5, $0x1;
	s5 =	sld [smem:$0x7FB]  }
0x71: {  	v38 =	vld [tilespmem:s1+$0x480]  }
0x72: {  	v41 =	vld [tilespmem:s1+$0x400]  }
0x73: {  	v40 =	vld [tilespmem:s1+$0x380];
	p3 =	seq.s32 s5, $0x1;
	s5 =	sld [smem:$0x7FC]  }
0x74: {  	v2 =	vimm.s32 $0x0;
	v36 =	vld [tilespmem:s1+$0x300];
	vm2 =	veq.s32 v4, $0x7;
	vm0 =	veq.s32 v3, $0x7  }
0x75: {  	v34 =	vld [tilespmem:s1+$0x280];
	vm8 =	veq.s32 v7, $0x7;
	vm7 =	veq.s32 v6, $0x7;
	vm1 =	veq.s32 v16, $0x7  }
0x76: {  	v32 =	vld [tilespmem:s1+$0x200];
	vm6 =	veq.s32 v5, $0x7;
	vm11 =	veq.s32 v10, $0x7;
	v2 =	vsel vm1, $0xFFFFFFFF, v2;
	p5 =	seq.s32 s5, $0x1;
	s5 =	sld [smem:$0x7FD]  }
0x77: {  	v30 =	vld [tilespmem:s1+$0x180];
	vm10 =	veq.s32 v9, $0x7;
	vm1 =	veq.s32 v15, $0x7;
	[tilespmem:$0x1FFE0] =	vst v2;
	v2 =	vimm.s32 $0x0  }
0x78: {  	v20 =	vld [tilespmem:s1+$0x0];
	vm9 =	veq.s32 v8, $0x7;
	vm4 =	veq.s32 v13, $0x7;
	v2 =	vsel vm1, $0xFFFFFFFF, v2  }
0x79: {  	s2 =	simm.s32 $0x40;
	v37 =	vld [tilespmem:s1+$0x100];
	vm13 =	veq.s32 v12, $0x7;
	vm12 =	veq.s32 v11, $0x7;
	vm14 =	veq.s32 v14, $0x7;
	[tilespmem:$0x1FFF0] =	vst v2;
	p6 =	seq.s32 s5, $0x1  }
.LBB2_2:
0x7a: {  	v2 =	vimm.s32 $0x0  }
0x7b: {  	v2 =	vsel vm2, $0xFFFFFFFF, v2  }
0x7c: {  	[tilespmem:$0x1FFC0] =	vst v2;
	v2 =	vimm.s32 $0x0  }
0x7d: {  	v2 =	vsel vm0, $0xFFFFFFFF, v2  }
0x7e: {  	vm1 =	veq.s32 v18, $0x7;
	[tilespmem:$0x1FFD0] =	vst v2;
	v2 =	vimm.s32 $0x0  }
0x7f: {  	v2 =	vsel vm1, $0xFFFFFFFF, v2  }
0x80: {  	[tilespmem:$0x1FF10] =	vst v2;
	v2 =	vimm.s32 $0x0  }
0x81: {  	v2 =	vsel vm4, $0xFFFFFFFF, v2  }
0x82: {  	vm1 =	veq.s32 v25, $0x7;
	[tilespmem:$0x1FF30] =	vst v2;
	v2 =	vimm.s32 $0x0  }
0x83: {  	v2 =	vsel vm1, $0xFFFFFFFF, v2  }
0x84: {  	[tilespmem:$0x1FE60] =	vst v2;
	v2 =	vimm.s32 $0x0  }
0x85: {  	v2 =	vsel vm14, $0xFFFFFFFF, v2  }
0x86: {  	vm1 =	veq.s32 v23, $0x7;
	[tilespmem:$0x1FF20] =	vst v2;
	v2 =	vimm.s32 $0x0  }
0x87: {  	v2 =	vsel vm1, $0xFFFFFFFF, v2  }
0x88: {  	vm1 =	veq.s32 v21, $0x7;
	[tilespmem:$0x1FE50] =	vst v2;
	v2 =	vimm.s32 $0x0  }
0x89: {  	v2 =	vsel vm1, $0xFFFFFFFF, v2  }
0x8a: {  	[tilespmem:$0x1FE30] =	vst v2;
	v2 =	vimm.s32 $0x0  }
0x8b: {  	v2 =	vsel vm6, $0xFFFFFFFF, v2  }
0x8c: {  	vm1 =	veq.s32 v38, $0x7;
	[tilespmem:$0x1FFB0] =	vst v2;
	v2 =	vimm.s32 $0x0  }
0x8d: {  	v2 =	vsel vm1, $0xFFFFFFFF, v2  }
0x8e: {  	vm1 =	veq.s32 v31, $0x7;
	[tilespmem:$0x1FEA0] =	vst v2;
	v2 =	vimm.s32 $0x0  }
0x8f: {  	v2 =	vsel vm1, $0xFFFFFFFF, v2  }
0x90: {  	vm1 =	veq.s32 v27, $0x7;
	[tilespmem:$0x1FE90] =	vst v2;
	v2 =	vimm.s32 $0x0  }
0x91: {  	v2 =	vsel vm1, $0xFFFFFFFF, v2  }
0x92: {  	[tilespmem:$0x1FE70] =	vst v2;
	v2 =	vimm.s32 $0x0  }
0x93: {  	v2 =	vsel vm9, $0xFFFFFFFF, v2  }
0x94: {  	vm1 =	veq.s32 v36, $0x7;
	[tilespmem:$0x1FF80] =	vst v2;
	v2 =	vimm.s32 $0x0  }
0x95: {  	v2 =	vsel vm1, $0xFFFFFFFF, v2  }
0x96: {  	[tilespmem:$0x1FEE0] =	vst v2;
	v2 =	vimm.s32 $0x0  }
0x97: {  	v2 =	vsel vm8, $0xFFFFFFFF, v2  }
0x98: {  	vm1 =	veq.s32 v40, $0x7;
	[tilespmem:$0x1FF90] =	vst v2;
	v2 =	vimm.s32 $0x0  }
0x99: {  	v2 =	vsel vm1, $0xFFFFFFFF, v2  }
0x9a: {  	[tilespmem:$0x1FED0] =	vst v2;
	v2 =	vimm.s32 $0x0  }
0x9b: {  	v2 =	vsel vm7, $0xFFFFFFFF, v2  }
0x9c: {  	vm1 =	veq.s32 v41, $0x7;
	[tilespmem:$0x1FFA0] =	vst v2;
	v2 =	vimm.s32 $0x0  }
0x9d: {  	v2 =	vsel vm1, $0xFFFFFFFF, v2  }
0x9e: {  	[tilespmem:$0x1FEB0] =	vst v2;
	v2 =	vimm.s32 $0x0  }
0x9f: {  	v2 =	vsel vm12, $0xFFFFFFFF, v2  }
0xa0: {  	vm1 =	veq.s32 v30, $0x7;
	[tilespmem:$0x1FF50] =	vst v2;
	v2 =	vimm.s32 $0x0  }
0xa1: {  	v2 =	vsel vm1, $0xFFFFFFFF, v2  }
0xa2: {  	[tilespmem:$0x1FEC0] =	vst v2;
	v2 =	vimm.s32 $0x0  }
0xa3: {  	v2 =	vsel vm11, $0xFFFFFFFF, v2  }
0xa4: {  	vm1 =	veq.s32 v32, $0x7;
	[tilespmem:$0x1FF60] =	vst v2;
	v2 =	vimm.s32 $0x0  }
0xa5: {  	v33 =	vld [tilespmem:s1+$0x80];
	v2 =	vsel vm1, $0xFFFFFFFF, v2  }
0xa6: {  	[tilespmem:$0x1FEF0] =	vst v2;
	v2 =	vimm.s32 $0x0  }
0xa7: {  	v2 =	vsel vm10, $0xFFFFFFFF, v2  }
0xa8: {  	vm1 =	veq.s32 v34, $0x7;
	[tilespmem:$0x1FF70] =	vst v2;
	v2 =	vimm.s32 $0x0  }
0xa9: {  	v2 =	vsel vm1, $0xFFFFFFFF, v2  }
0xaa: {  	vm15 =	veq.s32 v33, $0x7;
	[tilespmem:$0x1FF00] =	vst v2;
	v2 =	vimm.s32 $0x0  }
0xab: {  	v2 =	vsel vm15, $0xFFFFFFFF, v2  }
0xac: {  	[tilespmem:$0x1FE40] =	vst v2;
	v2 =	vimm.s32 $0x0  }
0xad: {  	v2 =	vsel vm13, $0xFFFFFFFF, v2  }
0xae: {  	vm15 =	veq.s32 v37, $0x7;
	[tilespmem:$0x1FF40] =	vst v2;
	v2 =	vimm.s32 $0x0  }
0xaf: {  	v2 =	vsel vm15, $0xFFFFFFFF, v2  }
0xb0: {  	[tilespmem:$0x1FE80] =	vst v2;
	v2 =	vld [tilespmem:$0x1FFE0];
	_ =	sdelay $0x3  }
0xb1: {  	vm1 =	veq.s32 v20, $0x7  }
0xb2: {  	v20 =	vsel vm0, $0x1, v1;
	vm0 =	vnez.u8 v2;
	v2 =	vimm.s32 $0x0  }
0xb3: {  	v2 =	vsel vm0, $0xFFFFFFFF, v2  }
0xb4: {  	[tilespmem:$0x1FFE0] =	vst v2;
	v2 =	vld [tilespmem:$0x1FFF0];
	_ =	sdelay $0x4  }
0xb5: {  	v46 =	vsel vm0, $0x1, v1;
	vm0 =	vnez.u8 v2;
	v2 =	vimm.s32 $0x0  }
0xb6: {  	v2 =	vsel vm0, $0xFFFFFFFF, v2  }
0xb7: {  	[tilespmem:$0x1FFF0] =	vst v2;
	v2 =	vld [tilespmem:$0x1FE30];
	_ =	sdelay $0x4  }
0xb8: {  	v39 =	vsel vm12, $0x1, v1;
	vm12 =	vnez.u8 v2;
	v2 =	vld [tilespmem:$0x1FF10];
	_ =	sdelay $0x4  }
0xb9: {  	v45 =	vsel vm0, $0x1, v1;
	vm0 =	vnez.u8 v2;
	v2 =	vld [tilespmem:$0x1FE40];
	_ =	sdelay $0x4  }
0xba: {  	v43 =	vsel vm4, $0x1, v1;
	vm4 =	vnez.u8 v2;
	v2 =	vld [tilespmem:$0x1FE50];
	_ =	sdelay $0x4  }
0xbb: {  	v35 =	vsel vm11, $0x1, v1;
	vm11 =	vnez.u8 v2;
	v2 =	vimm.s32 $0x5  }
0xbc: {  	v55 =	vsel vm1, $0x7, v2;
	v2 =	vld [tilespmem:$0x1FE60];
	_ =	sdelay $0x3  }
0xbd: {  	v53 =	vld.idx.msk [tilespmem:v33+s22+$0x0], $0xffff  }
0xbe: {  	v33 =	vsel vm10, $0x1, v1;
	vm10 =	vnez.u8 v2;
	v2 =	vld [tilespmem:$0x1FE70];
	_ =	sdelay $0x4  }
0xbf: {  	v29 =	vsel vm9, $0x1, v1;
	vm9 =	vnez.u8 v2;
	v2 =	vld [tilespmem:$0x1FE80];
	_ =	sdelay $0x3  }
0xc0: {  	vm3 =	veq.s32 v19, $0x7;
	v42 =	vsel vm13, $0x1, v1  }
0xc1: {  	v49 =	vsel vm3, $0x1, v1;
	vm13 =	vmmov vm3;
	vm3 =	vnez.u8 v2;
	v2 =	vld [tilespmem:$0x1FE90];
	_ =	sdelay $0x4  }
0xc2: {  	vm15 =	vnez.u8 v2;
	v2 =	vld [tilespmem:$0x1FEA0];
	_ =	sdelay $0x4  }
0xc3: {  	v28 =	vsel vm8, $0x1, v1;
	vm8 =	vnez.u8 v2;
	v2 =	vld [tilespmem:$0x1FEB0];
	_ =	sdelay $0x4  }
0xc4: {  	v26 =	vsel vm7, $0x1, v1;
	vm7 =	vnez.u8 v2;
	v2 =	vld [tilespmem:$0x1FEC0];
	_ =	sdelay $0x2  }
0xc5: {  	v56 =	vsub.s32 v55, v53  }
0xc6: {  	v22 =	vsel vm2, $0x1, v1;
	vm2 =	vgt.s32 v56, $0x0  }
0xc7: {  	v56 =	vnsel vm2, $0x0, v56;
	vm2 =	vnez.u8 v2;
	v2 =	vld [tilespmem:$0x1FED0];
	_ =	sdelay $0x2  }
0xc8: {  	v52 =	vsel vm1, $0x1, v1;
	v54 =	vsel vm4, $0x1, v1  }
0xc9: {  	v24 =	vsel vm6, $0x1, v1;
	v61 =	vld.idx.msk [tilespmem:v37+s22+$0x0], $0xffff;
	v48 =	vsel vm0, $0x1, v1;
	v54 =	vadd.s32 v52, v54  }
0xca: {  	vm0 =	veq.s32 v54, $0x0;
	vm1 =	vmand vm1, vm4;
	vm6 =	vnez.u8 v2;
	v2 =	vld [tilespmem:$0x1FEE0]  }
0xcb: {  	vm5 =	veq.s32 v17, $0x7;
	vm0 =	vmor vm1, vm0  }
0xcc: {  	v44 =	vsel vm14, $0x1, v1;
	v57 =	vsel vm0, $0x5, v0;
	v58 =	vsel vm3, $0x1, v1  }
0xcd: {  	v47 =	vsel vm5, $0x1, v1;
	v59 =	vld.idx.msk [tilespmem:v30+s22+$0x0], $0xffff;
	v30 =	vsel vm4, v57, v56;
	v54 =	vadd.s32 v58, v54  }
0xce: {  	vm14 =	vmmov vm5;
	v37 =	vsub.s32 v30, v61;
	v62 =	vand.u32 $0x5, v54  }
0xcf: {  	vm0 =	vgt.s32 v37, $0x0;
	vm1 =	veq.s32 v62, $0x0;
	vm5 =	vnez.u8 v2;
	v2 =	vld [tilespmem:$0x1FEF0]  }
0xd0: {  	v37 =	vnsel vm0, $0x0, v37;
	v60 =	vsel vm1, $0x5, v0;
	v61 =	vsel vm2, $0x1, v1  }
0xd1: {  	v62 =	vld.idx.msk [tilespmem:v32+s22+$0x0], $0xffff;
	v32 =	vsel vm3, v60, v37;
	v37 =	vadd.s32 v61, v54  }
0xd2: {  	v59 =	vsub.s32 v32, v59;
	v60 =	vand.u32 $0xD, v37  }
0xd3: {  	vm0 =	vgt.s32 v59, $0x0;
	vm1 =	veq.s32 v60, $0x0  }
0xd4: {  	v59 =	vnsel vm0, $0x0, v59;
	v63 =	vsel vm1, $0x5, v0;
	vm3 =	vnez.u8 v2;
	v2 =	vld.idx.msk [tilespmem:v34+s22+$0x0], $0xffff  }
0xd5: {  	v34 =	vsel vm2, v63, v59;
	v63 =	vld [tilespmem:$0x1FF00]  }
0xd6: {  	v51 =	vsel vm11, $0x1, v1;
	v52 =	vsel vm10, $0x1, v1  }
0xd7: {  	v53 =	vsel vm9, $0x1, v1;
	v56 =	vsel vm15, $0x1, v1;
	v60 =	vsel vm3, $0x1, v1  }
0xd8: {  	v58 =	vsel vm8, $0x1, v1;
	v57 =	vsel vm7, $0x1, v1;
	v60 =	vadd.s32 v60, v37  }
0xd9: {  	v62 =	vsub.s32 v34, v62;
	v37 =	vpsel !p6, $0x0, v55;
	v59 =	vand.u32 $0x1D, v60  }
0xda: {  	vm1 =	vgt.s32 v62, $0x0;
	vm0 =	veq.s32 v59, $0x0;
	vm4 =	vnez.u8 v63  }
0xdb: {  	vm2 =	vgt.u32 v60, $0x4;
	v59 =	vsel vm0, $0x5, v0;
	v63 =	vsel vm4, $0x1, v1  }
0xdc: {  	v55 =	vnsel vm1, $0x0, v62;
	v59 =	vsel vm2, $0x0, v59;
	v60 =	vadd.s32 v63, v60  }
0xdd: {  	v61 =	vsel vm5, $0x1, v1;
	v62 =	vld.idx.msk [tilespmem:v36+s22+$0x0], $0xffff;
	v36 =	vsel vm3, v59, v55;
	v63 =	vand.u32 $0xFFFFFFFD, v60  }
0xde: {  	v55 =	vmin.u32 v60, $0x5;
	v2 =	vsub.s32 v36, v2;
	vm1 =	veq.s32 v63, $0x0  }
0xdf: {  	vm0 =	vgt.u32 v60, $0x4;
	vm2 =	vgt.s32 v2, $0x0;
	v59 =	vsel vm1, $0x5, v0  }
0xe0: {  	v55 =	vadd.s32 v61, v55;
	v2 =	vnsel vm2, $0x0, v2;
	v59 =	vsel vm0, $0x0, v59  }
0xe1: {  	v54 =	vsel vm6, $0x1, v1;
	v61 =	vld.idx.msk [tilespmem:v40+s22+$0x0], $0xffff;
	v60 =	vmin.u32 v55, $0x5;
	v40 =	vsel vm4, v59, v2  }
0xe2: {  	vm0 =	vgt.u32 v55, $0x4;
	v2 =	vand.u32 $0xD, v55;
	v63 =	vsub.s32 v40, v62  }
0xe3: {  	vm1 =	veq.s32 v2, $0x0;
	v2 =	vadd.s32 v54, v60;
	vm2 =	vgt.s32 v63, $0x0  }
0xe4: {  	v62 =	vsel vm1, $0x5, v0;
	v59 =	vmin.u32 v2, $0x5;
	v55 =	vnsel vm2, $0x0, v63  }
0xe5: {  	v54 =	vsel vm0, $0x0, v62;
	vm0 =	vgt.u32 v2, $0x4;
	v2 =	vand.u32 $0xD, v2  }
0xe6: {  	v60 =	vld.idx.msk [tilespmem:v41+s22+$0x0], $0xffff;
	v63 =	vadd.s32 v57, v59;
	v41 =	vsel vm5, v54, v55;
	vm1 =	veq.s32 v2, $0x0  }
0xe7: {  	v2 =	vmin.u32 v63, $0x5;
	v54 =	vand.u32 $0xD, v63;
	v55 =	vsub.s32 v41, v61  }
0xe8: {  	v62 =	vsel vm1, $0x5, v0;
	vm1 =	vgt.u32 v63, $0x4;
	vm2 =	vgt.s32 v55, $0x0  }
0xe9: {  	v57 =	vsel vm0, $0x0, v62;
	vm0 =	veq.s32 v54, $0x0;
	v55 =	vnsel vm2, $0x0, v55  }
0xea: {  	v59 =	vld.idx.msk [tilespmem:v38+s22+$0x0], $0xffff;
	v2 =	vadd.s32 v58, v2;
	v61 =	vsel vm0, $0x5, v0;
	v38 =	vsel vm6, v57, v55  }
0xeb: {  	vm2 =	vgt.u32 v2, $0x4;
	v57 =	vsel vm1, $0x0, v61;
	v63 =	vsub.s32 v38, v60  }
0xec: {  	v60 =	vmin.u32 v2, $0x5;
	v2 =	vand.u32 $0xD, v2;
	vm3 =	vgt.s32 v63, $0x0  }
0xed: {  	v55 =	vadd.s32 v56, v60;
	vm0 =	veq.s32 v2, $0x0;
	v54 =	vnsel vm3, $0x0, v63  }
0xee: {  	v2 =	vmin.u32 v55, $0x5;
	vm1 =	vgt.u32 v55, $0x4;
	v55 =	vand.u32 $0xD, v55  }
0xef: {  	v62 =	vld.idx.msk [tilespmem:v31+s22+$0x0], $0xffff;
	v63 =	vsel vm0, $0x5, v0;
	v31 =	vsel vm7, v57, v54;
	v2 =	vadd.s32 v53, v2  }
0xf0: {  	vm0 =	veq.s32 v55, $0x0;
	v54 =	vsub.s32 v31, v59;
	v59 =	vsel vm2, $0x0, v63  }
0xf1: {  	v60 =	vmin.u32 v2, $0x5;
	vm2 =	vgt.u32 v2, $0x4;
	vm3 =	vgt.s32 v54, $0x0  }
0xf2: {  	v61 =	vsel vm0, $0x5, v0;
	v2 =	vand.u32 $0xD, v2;
	v57 =	vnsel vm3, $0x0, v54  }
0xf3: {  	v55 =	vld.idx.msk [tilespmem:v27+s22+$0x0], $0xffff;
	vm3 =	veq.s32 v2, $0x0;
	v2 =	vadd.s32 v52, v60;
	v27 =	vsel vm8, v59, v57  }
0xf4: {  	v63 =	vsel vm1, $0x0, v61;
	v61 =	vmin.u32 v2, $0x5;
	v54 =	vsub.s32 v27, v62  }
0xf5: {  	v51 =	vadd.s32 v51, v61;
	vm0 =	vgt.s32 v54, $0x0  }
0xf6: {  	v50 =	vsel vm12, $0x1, v1;
	v57 =	vmin.u32 v51, $0x5;
	v62 =	vnsel vm0, $0x0, v54  }
0xf7: {  	v60 =	vld.idx.msk [tilespmem:v25+s22+$0x0], $0xffff;
	vm0 =	vgt.u32 v2, $0x4;
	v2 =	vand.u32 $0xD, v2;
	v25 =	vsel vm15, v63, v62  }
0xf8: {  	v50 =	vadd.s32 v50, v57;
	v62 =	vsel vm3, $0x5, v0;
	v52 =	vsub.s32 v25, v55  }
0xf9: {  	v58 =	vmin.u32 v50, $0x5;
	v53 =	vsel vm2, $0x0, v62;
	vm1 =	vgt.s32 v52, $0x0  }
0xfa: {  	vm2 =	veq.s32 v2, $0x0;
	v49 =	vadd.s32 v49, v58;
	v2 =	vnsel vm1, $0x0, v52  }
0xfb: {  	v63 =	vld.idx.msk [tilespmem:v23+s22+$0x0], $0xffff;
	v61 =	vmin.u32 v49, $0x5;
	vm1 =	vgt.u32 v51, $0x4;
	v23 =	vsel vm9, v53, v2  }
0xfc: {  	v51 =	vand.u32 $0xD, v51;
	v2 =	vsel vm2, $0x5, v0;
	v53 =	vsub.s32 v23, v60  }
0xfd: {  	vm2 =	veq.s32 v51, $0x0;
	v2 =	vsel vm0, $0x0, v2;
	vm3 =	vgt.s32 v53, $0x0  }
0xfe: {  	vm0 =	vgt.u32 v50, $0x4;
	v50 =	vand.u32 $0xD, v50;
	v53 =	vnsel vm3, $0x0, v53  }
0xff: {  	v59 =	vld.idx.msk [tilespmem:v21+s22+$0x0], $0xffff;
	vm3 =	vgt.u32 v49, $0x4;
	v21 =	vsel vm10, v2, v53;
	v2 =	vsel vm2, $0x5, v0  }
0x100: {  	v60 =	vsub.s32 v21, v63;
	v2 =	vsel vm1, $0x0, v2;
	vm1 =	veq.s32 v50, $0x0  }
0x101: {  	v49 =	vand.u32 $0xD, v49;
	vm2 =	vgt.s32 v60, $0x0;
	v62 =	vsel vm1, $0x5, v0  }
0x102: {  	vm1 =	veq.s32 v49, $0x0;
	v51 =	vnsel vm2, $0x0, v60;
	v56 =	vsel vm0, $0x0, v62  }
0x103: {  	v63 =	vld.idx.msk [tilespmem:v19+s22+$0x0], $0xffff;
	v57 =	vsel vm1, $0x5, v0;
	v19 =	vsel vm11, v2, v51;
	v2 =	vadd.s32 v48, v61  }
0x104: {  	v54 =	vsub.s32 v19, v59;
	v50 =	vmin.u32 v2, $0x5;
	vm2 =	vgt.u32 v2, $0x4  }
0x105: {  	v2 =	vand.u32 $0xD, v2;
	v59 =	vsel vm3, $0x0, v57;
	vm0 =	vgt.s32 v54, $0x0  }
0x106: {  	v47 =	vadd.s32 v47, v50;
	v48 =	vnsel vm0, $0x0, v54;
	vm0 =	veq.s32 v2, $0x0  }
0x107: {  	v58 =	vld.idx.msk [tilespmem:v18+s22+$0x0], $0xffff;
	v60 =	vmin.u32 v47, $0x5;
	vm1 =	vgt.u32 v47, $0x4;
	v18 =	vsel vm12, v56, v48  }
0x108: {  	v47 =	vand.u32 $0xD, v47;
	v61 =	vsel vm0, $0x5, v0;
	v2 =	vsub.s32 v18, v63  }
0x109: {  	vm0 =	veq.s32 v47, $0x0;
	v46 =	vadd.s32 v46, v60;
	v56 =	vld [tilespmem:$0x1FF10];
	vm3 =	vgt.s32 v2, $0x0  }
0x10a: {  	v63 =	vmin.u32 v46, $0x5;
	v52 =	vsel vm0, $0x5, v0;
	v2 =	vnsel vm3, $0x0, v2  }
0x10b: {  	v62 =	vld.idx.msk [tilespmem:v17+s22+$0x0], $0xffff;
	v47 =	vadd.s32 v45, v63;
	v17 =	vsel vm13, v59, v2;
	v2 =	vsel vm2, $0x0, v61  }
0x10c: {  	vm2 =	vgt.u32 v46, $0x4;
	v46 =	vand.u32 $0xD, v46;
	v48 =	vsub.s32 v17, v58  }
0x10d: {  	v54 =	vsel vm1, $0x0, v52;
	vm0 =	veq.s32 v46, $0x0;
	vm3 =	vgt.s32 v48, $0x0  }
0x10e: {  	v63 =	vld [tilespmem:$0x1FFE0];
	vm1 =	vnez.u8 v56;
	v58 =	vsel vm0, $0x5, v0;
	v53 =	vnsel vm3, $0x0, v48  }
0x10f: {  	v16 =	vld.idx.msk [tilespmem:v16+s22+$0x0], $0xffff;
	v60 =	vsel vm2, $0x0, v58;
	v45 =	vsel vm1, v2, v53;
	v2 =	vmin.u32 v47, $0x5  }
0x110: {  	vm1 =	vgt.u32 v47, $0x4;
	v47 =	vand.u32 $0xD, v47;
	v57 =	vsub.s32 v45, v62  }
0x111: {  	vm3 =	veq.s32 v47, $0x0;
	v2 =	vadd.s32 v44, v2;
	vm0 =	vgt.s32 v57, $0x0  }
0x112: {  	v61 =	vmin.u32 v2, $0x5;
	v62 =	vsel vm3, $0x5, v0;
	v59 =	vnsel vm0, $0x0, v57  }
0x113: {  	v15 =	vld.idx.msk [tilespmem:v15+s22+$0x0], $0xffff;
	vm3 =	vnez.u8 v63;
	vm0 =	vgt.u32 v2, $0x4;
	v44 =	vsel vm14, v54, v59  }
0x114: {  	v2 =	vand.u32 $0xD, v2;
	v47 =	vadd.s32 v43, v61;
	v16 =	vsub.s32 v44, v16  }
0x115: {  	v51 =	vld [tilespmem:$0x1FFF0];
	v48 =	vsel vm1, $0x0, v62;
	vm1 =	veq.s32 v2, $0x0;
	vm2 =	vgt.s32 v16, $0x0  }
0x116: {  	v49 =	vand.u32 $0xD, v47;
	v2 =	vnsel vm2, $0x0, v16;
	v16 =	vmin.u32 v47, $0x5  }
0x117: {  	v14 =	vld.idx.msk [tilespmem:v14+s22+$0x0], $0xffff;
	vm2 =	vgt.u32 v47, $0x4;
	v43 =	vsel vm3, v60, v2;
	v2 =	vsel vm1, $0x5, v0  }
0x118: {  	vm1 =	veq.s32 v49, $0x0;
	v16 =	vadd.s32 v42, v16;
	v15 =	vsub.s32 v43, v15  }
0x119: {  	v54 =	vld [tilespmem:$0x1FF20];
	v2 =	vsel vm0, $0x0, v2;
	v50 =	vmin.u32 v16, $0x5;
	vm3 =	vgt.s32 v15, $0x0  }
0x11a: {  	vm0 =	vgt.u32 v16, $0x4;
	v15 =	vnsel vm3, $0x0, v15;
	vm3 =	vnez.u8 v51  }
0x11b: {  	v16 =	vand.u32 $0xD, v16;
	v39 =	vadd.s32 v39, v50;
	v42 =	vsel vm3, v48, v15  }
0x11c: {  	v13 =	vld.idx.msk [tilespmem:v13+s22+$0x0], $0xffff;
	v53 =	vand.u32 $0xD, v39;
	v15 =	vsel vm1, $0x5, v0;
	v14 =	vsub.s32 v42, v14  }
0x11d: {  	vm1 =	veq.s32 v16, $0x0;
	v15 =	vsel vm2, $0x0, v15;
	vm2 =	vgt.s32 v14, $0x0  }
0x11e: {  	v57 =	vld [tilespmem:$0x1FF30];
	v52 =	vsel vm1, $0x5, v0;
	vm1 =	vnez.u8 v54;
	v14 =	vnsel vm2, $0x0, v14  }
0x11f: {  	v16 =	vmin.u32 v39, $0x5;
	vm3 =	vgt.u32 v39, $0x4;
	v39 =	vsel vm1, v2, v14  }
0x120: {  	v12 =	vld.idx.msk [tilespmem:v12+s22+$0x0], $0xffff;
	vm1 =	veq.s32 v53, $0x0;
	v2 =	vadd.s32 v35, v16;
	v14 =	vsel vm0, $0x0, v52  }
0x121: {  	v13 =	vsub.s32 v39, v13;
	v16 =	vmin.u32 v2, $0x5;
	vm2 =	vgt.u32 v2, $0x4  }
0x122: {  	v2 =	vand.u32 $0xD, v2;
	v56 =	vsel vm1, $0x5, v0;
	vm0 =	vgt.s32 v13, $0x0  }
0x123: {  	v16 =	vadd.s32 v33, v16;
	v13 =	vnsel vm0, $0x0, v13;
	vm0 =	vnez.u8 v57  }
0x124: {  	vm1 =	vgt.u32 v16, $0x4;
	v33 =	vsel vm0, v15, v13;
	vm0 =	veq.s32 v2, $0x0  }
0x125: {  	v2 =	vsub.s32 v33, v12;
	v12 =	vmin.u32 v16, $0x5;
	v16 =	vand.u32 $0xD, v16  }
0x126: {  	v15 =	vsel vm0, $0x5, v0;
	vm0 =	veq.s32 v16, $0x0;
	v16 =	vld [tilespmem:$0x1FF40];
	_ =	sdelay $0x3  }
0x127: {  	v13 =	vsel vm3, $0x0, v56;
	vm3 =	vgt.s32 v2, $0x0  }
0x128: {  	v2 =	vnsel vm3, $0x0, v2;
	vm3 =	vnez.u8 v16  }
0x129: {  	v11 =	vld.idx.msk [tilespmem:v11+s22+$0x0], $0xffff;
	v12 =	vadd.s32 v29, v12;
	v29 =	vsel vm3, v14, v2;
	v2 =	vsel vm2, $0x0, v15  }
0x12a: {  	v14 =	vmin.u32 v12, $0x5;
	vm2 =	vgt.u32 v12, $0x4;
	v12 =	vand.u32 $0xD, v12  }
0x12b: {  	v15 =	vsel vm0, $0x5, v0;
	vm0 =	veq.s32 v12, $0x0;
	v12 =	vld [tilespmem:$0x1FF50];
	_ =	sdelay $0x2  }
0x12c: {  	v11 =	vsub.s32 v29, v11  }
0x12d: {  	v14 =	vadd.s32 v28, v14;
	vm3 =	vgt.s32 v11, $0x0  }
0x12e: {  	v10 =	vld.idx.msk [tilespmem:v10+s22+$0x0], $0xffff;
	v15 =	vsel vm1, $0x0, v15;
	v11 =	vnsel vm3, $0x0, v11;
	vm1 =	vnez.u8 v12  }
0x12f: {  	v9 =	vld.idx.msk [tilespmem:v9+s22+$0x0], $0xffff;
	v28 =	vsel vm1, v13, v11;
	v11 =	vmin.u32 v14, $0x5;
	v13 =	vand.u32 $0xD, v14  }
0x130: {  	vm1 =	vgt.u32 v14, $0x4;
	v14 =	vld.idx.msk [tilespmem:v8+s22+$0x0], $0xffff;
	vm3 =	veq.s32 v13, $0x0;
	v13 =	vpsel p5, v30, v37  }
0x131: {  	s5 =	sshra.s32 s2, $0x2;
	v8 =	vpsel p3, v32, v13;
	v13 =	vld [tilespmem:$0x1FF60]  }
0x132: {  	v58 =	vld [tilespmem:s5+$0xF80]  }
0x133: {  	v59 =	vld [tilespmem:s5+$0xF00]  }
0x134: {  	v16 =	vld [tilespmem:s5+$0xE80];
	v10 =	vsub.s32 v28, v10  }
0x135: {  	v12 =	vsel vm0, $0x5, v0;
	v11 =	vadd.s32 v26, v11;
	v26 =	vld [tilespmem:s5+$0xD80];
	vm0 =	vgt.s32 v10, $0x0  }
0x136: {  	v10 =	vnsel vm0, $0x0, v10;
	vm0 =	vnez.u8 v13;
	v13 =	vld [tilespmem:s5+$0xE00];
	[smem:$0x7DD] =	sst s0  }
0x137: {  	s0 =	sld [smem:$0x7F8];
	_ =	sdelay $0x2  }
0x138: {  	p0 =	seq.s32 s0, $0x1;
	s0 =	sld [smem:$0x7DD]  }
0x139: {  	v8 =	vpsel p2, v34, v8  }
0x13a: {  	v8 =	vpsel p1, v36, v8;
	v60 =	vld.idx.msk [tilespmem:v7+s22+$0x0], $0xffff  }
0x13b: {  	v30 =	vpsel p0, v40, v8;
	v8 =	vld [tilespmem:s5+$0xD00];
	[smem:$0x7DD] =	sst s0  }
0x13c: {  	s0 =	sld [smem:$0x7F7];
	_ =	sdelay $0x2  }
0x13d: {  	p0 =	seq.s32 s0, $0x1;
	s0 =	sld [smem:$0x7DD];
	v61 =	vld [tilespmem:$0x1FF70];
	_ =	sdelay $0x1  }
0x13e: {  	v2 =	vsel vm0, v2, v10  }
0x13f: {  	v9 =	vsub.s32 v2, v9  }
0x140: {  	v12 =	vsel vm2, $0x0, v12;
	vm2 =	vgt.s32 v9, $0x0  }
0x141: {  	v9 =	vnsel vm2, $0x0, v9;
	vm2 =	vnez.u8 v61  }
0x142: {  	v34 =	vsel vm2, v15, v9;
	v9 =	vld [tilespmem:s5+$0xC80];
	[smem:$0x7DD] =	sst s0  }
0x143: {  	s0 =	sld [smem:$0x7F6];
	_ =	sdelay $0x2  }
0x144: {  	v30 =	vpsel p0, v41, v30;
	p0 =	seq.s32 s0, $0x1;
	s0 =	sld [smem:$0x7DD];
	_ =	sdelay $0x1  }
0x145: {  	v10 =	vmin.u32 v11, $0x5  }
0x146: {  	v15 =	vadd.s32 v24, v10;
	v10 =	vld [tilespmem:s5+$0xC00];
	[smem:$0x7DD] =	sst s0  }
0x147: {  	s0 =	sld [smem:$0x7F5];
	_ =	sdelay $0x2  }
0x148: {  	v24 =	vpsel p0, v38, v30;
	p0 =	seq.s32 s0, $0x1;
	s0 =	sld [smem:$0x7DD];
	_ =	sdelay $0x2  }
0x149: {  	[smem:$0x7DD] =	sst s0  }
0x14a: {  	s0 =	sld [smem:$0x7F4];
	_ =	sdelay $0x1  }
0x14b: {  	vm0 =	vgt.u32 v11, $0x4;
	v11 =	vand.u32 $0xD, v11  }
0x14c: {  	vm2 =	veq.s32 v11, $0x0;
	v11 =	vpsel p0, v31, v24;
	p0 =	seq.s32 s0, $0x1;
	s0 =	sld [smem:$0x7DD];
	_ =	sdelay $0x1  }
0x14d: {  	v30 =	vld.idx.msk [tilespmem:v6+s22+$0x0], $0xffff  }
0x14e: {  	v27 =	vpsel p0, v27, v11;
	v11 =	vld [tilespmem:s5+$0xB80];
	[smem:$0x7DD] =	sst s0  }
0x14f: {  	s0 =	sld [smem:$0x7F3];
	_ =	sdelay $0x2  }
0x150: {  	p0 =	seq.s32 s0, $0x1  }
0x151: {  	v6 =	vmov v13;
	s0 =	sld [smem:$0x7DD];
	v13 =	vpsel p0, v25, v27;
	v25 =	vld [tilespmem:$0x1FF80];
	_ =	sdelay $0x2  }
0x152: {  	v7 =	vsel vm3, $0x5, v0;
	v14 =	vsub.s32 v34, v14  }
0x153: {  	vm3 =	vgt.s32 v14, $0x0  }
0x154: {  	v14 =	vnsel vm3, $0x0, v14;
	v24 =	vsel vm1, $0x0, v7;
	vm1 =	vnez.u8 v25  }
0x155: {  	v7 =	vmov v26;
	v26 =	vsel vm1, v12, v14;
	v12 =	vld [tilespmem:s5+$0xB00];
	[smem:$0x7DD] =	sst s0  }
0x156: {  	s0 =	sld [smem:$0x7F2];
	_ =	sdelay $0x2  }
0x157: {  	p0 =	seq.s32 s0, $0x1;
	s0 =	sld [smem:$0x7DD];
	_ =	sdelay $0x2  }
0x158: {  	v14 =	vpsel p0, v23, v13;
	v13 =	vld [tilespmem:s5+$0xA80];
	[smem:$0x7DD] =	sst s0  }
0x159: {  	s0 =	sld [smem:$0x7F1];
	_ =	sdelay $0x2  }
0x15a: {  	p0 =	seq.s32 s0, $0x1;
	s0 =	sld [smem:$0x7DD];
	_ =	sdelay $0x2  }
0x15b: {  	[smem:$0x7DD] =	sst s0  }
0x15c: {  	s0 =	sld [smem:$0x7F0];
	_ =	sdelay $0x2  }
0x15d: {  	v14 =	vpsel p0, v21, v14;
	p0 =	seq.s32 s0, $0x1;
	s0 =	sld [smem:$0x7DD];
	_ =	sdelay $0x1  }
0x15e: {  	v25 =	vld.idx.msk [tilespmem:v5+s22+$0x0], $0xffff  }
0x15f: {  	v19 =	vpsel p0, v19, v14;
	v14 =	vld [tilespmem:s5+$0xA00];
	[smem:$0x7DD] =	sst s0  }
0x160: {  	s0 =	sld [smem:$0x7EF];
	_ =	sdelay $0x2  }
0x161: {  	p0 =	seq.s32 s0, $0x1  }
0x162: {  	v5 =	vmov v16;
	s0 =	sld [smem:$0x7DD];
	v16 =	vpsel p0, v18, v19;
	v18 =	vld [tilespmem:$0x1FF90];
	_ =	sdelay $0x2  }
0x163: {  	v31 =	vmin.u32 v15, $0x5;
	v23 =	vsub.s32 v26, v60  }
0x164: {  	vm1 =	vgt.u32 v15, $0x4;
	v15 =	vand.u32 $0xD, v15;
	vm3 =	vgt.s32 v23, $0x0  }
0x165: {  	v23 =	vnsel vm3, $0x0, v23;
	v21 =	vsel vm2, $0x5, v0;
	vm2 =	vnez.u8 v18  }
0x166: {  	v24 =	vsel vm2, v24, v23;
	vm2 =	veq.s32 v15, $0x0;
	v15 =	vld [tilespmem:s5+$0x980];
	[smem:$0x7DD] =	sst s0  }
0x167: {  	s0 =	sld [smem:$0x7EE];
	_ =	sdelay $0x2  }
0x168: {  	p0 =	seq.s32 s0, $0x1;
	s0 =	sld [smem:$0x7DD];
	_ =	sdelay $0x2  }
0x169: {  	v17 =	vpsel p0, v17, v16;
	v16 =	vld [tilespmem:s5+$0x900];
	[smem:$0x7DD] =	sst s0  }
0x16a: {  	s0 =	sld [smem:$0x7ED];
	_ =	sdelay $0x2  }
0x16b: {  	p0 =	seq.s32 s0, $0x1;
	s0 =	sld [smem:$0x7DD];
	_ =	sdelay $0x2  }
0x16c: {  	[smem:$0x7DD] =	sst s0  }
0x16d: {  	s0 =	sld [smem:$0x7EC];
	_ =	sdelay $0x2  }
0x16e: {  	v17 =	vpsel p0, v45, v17;
	p0 =	seq.s32 s0, $0x1;
	s0 =	sld [smem:$0x7DD];
	_ =	sdelay $0x1  }
0x16f: {  	v27 =	vld.idx.msk [tilespmem:v4+s22+$0x0], $0xffff  }
0x170: {  	v23 =	vpsel p0, v44, v17;
	v17 =	vld [tilespmem:s5+$0x880];
	[smem:$0x7DD] =	sst s0  }
0x171: {  	s0 =	sld [smem:$0x7EB];
	_ =	sdelay $0x2  }
0x172: {  	v18 =	vsub.s32 v24, v30;
	p0 =	seq.s32 s0, $0x1;
	s0 =	sld [smem:$0x7DD];
	v30 =	vld [tilespmem:$0x1FFA0];
	_ =	sdelay $0x3  }
0x173: {  	v19 =	vsel vm0, $0x0, v21;
	vm0 =	vgt.s32 v18, $0x0  }
0x174: {  	v18 =	vnsel vm0, $0x0, v18;
	vm3 =	vnez.u8 v30  }
0x175: {  	v30 =	vsel vm3, v19, v18;
	v18 =	vld [tilespmem:s5+$0x800];
	[smem:$0x7DD] =	sst s0  }
0x176: {  	s0 =	sld [smem:$0x7EA];
	_ =	sdelay $0x2  }
0x177: {  	v23 =	vpsel p0, v43, v23;
	p0 =	seq.s32 s0, $0x1;
	s0 =	sld [smem:$0x7DD];
	_ =	sdelay $0x2  }
0x178: {  	v19 =	vld [tilespmem:s5+$0x780];
	[smem:$0x7DD] =	sst s0  }
0x179: {  	s0 =	sld [smem:$0x7E9];
	_ =	sdelay $0x2  }
0x17a: {  	v23 =	vpsel p0, v42, v23;
	p0 =	seq.s32 s0, $0x1;
	s0 =	sld [smem:$0x7DD];
	_ =	sdelay $0x2  }
0x17b: {  	[smem:$0x7DD] =	sst s0  }
0x17c: {  	s0 =	sld [smem:$0x7E8];
	_ =	sdelay $0x2  }
0x17d: {  	v23 =	vpsel p0, v39, v23;
	p0 =	seq.s32 s0, $0x1;
	s0 =	sld [smem:$0x7DD]  }
0x17e: {  	v22 =	vadd.s32 v22, v31  }
0x17f: {  	v21 =	vmin.u32 v22, $0x5;
	v62 =	vld.idx.msk [tilespmem:v3+s22+$0x0], $0xffff  }
0x180: {  	v20 =	vadd.s32 v20, v21;
	v21 =	vld [tilespmem:s5+$0x700];
	[smem:$0x7DD] =	sst s0  }
0x181: {  	s0 =	sld [smem:$0x7E7];
	_ =	sdelay $0x2  }
0x182: {  	v23 =	vpsel p0, v33, v23;
	p0 =	seq.s32 s0, $0x1  }
0x183: {  	s0 =	sld [smem:$0x7DD];
	v29 =	vpsel p0, v29, v23;
	v23 =	vld [tilespmem:$0x1FFB0];
	_ =	sdelay $0x3  }
0x184: {  	v31 =	vsel vm2, $0x5, v0  }
0x185: {  	v31 =	vsel vm1, $0x0, v31;
	vm1 =	vnez.u8 v23;
	v23 =	vld [tilespmem:s5+$0x680];
	[smem:$0x7DD] =	sst s0  }
0x186: {  	s0 =	sld [smem:$0x7E6];
	_ =	sdelay $0x2  }
0x187: {  	v25 =	vsub.s32 v30, v25;
	p0 =	seq.s32 s0, $0x1;
	s0 =	sld [smem:$0x7DD]  }
0x188: {  	vm2 =	vgt.s32 v25, $0x0  }
0x189: {  	v25 =	vnsel vm2, $0x0, v25  }
0x18a: {  	v63 =	vsel vm1, v31, v25;
	v25 =	vld [tilespmem:s5+$0x600];
	[smem:$0x7DD] =	sst s0  }
0x18b: {  	s0 =	sld [smem:$0x7E5];
	_ =	sdelay $0x1  }
0x18c: {  	vm0 =	vgt.u32 v22, $0x4;
	v22 =	vand.u32 $0xD, v22  }
0x18d: {  	vm1 =	veq.s32 v22, $0x0;
	v22 =	vpsel p0, v28, v29;
	p0 =	seq.s32 s0, $0x1;
	s0 =	sld [smem:$0x7DD];
	_ =	sdelay $0x2  }
0x18e: {  	v28 =	vsub.s32 v63, v27;
	v27 =	vld [tilespmem:s5+$0x580];
	[smem:$0x7DD] =	sst s0  }
0x18f: {  	s0 =	sld [smem:$0x7E4];
	_ =	sdelay $0x2  }
0x190: {  	v2 =	vpsel p0, v2, v22;
	p0 =	seq.s32 s0, $0x1;
	s0 =	sld [smem:$0x7DD];
	_ =	sdelay $0x2  }
0x191: {  	v31 =	vld [tilespmem:s5+$0x500];
	[smem:$0x7DD] =	sst s0  }
0x192: {  	s0 =	sld [smem:$0x7E3];
	_ =	sdelay $0x2  }
0x193: {  	v2 =	vpsel p0, v34, v2;
	p0 =	seq.s32 s0, $0x1;
	s0 =	sld [smem:$0x7DD];
	_ =	sdelay $0x1  }
0x194: {  	v38 =	vld [tilespmem:s5+$0x480]  }
0x195: {  	v2 =	vpsel p0, v26, v2;
	v26 =	vld [tilespmem:$0x1FFC0];
	[smem:$0x7DD] =	sst s0  }
0x196: {  	s0 =	sld [smem:$0x7E2];
	_ =	sdelay $0x2  }
0x197: {  	p0 =	seq.s32 s0, $0x1;
	s0 =	sld [smem:$0x7DD];
	_ =	sdelay $0x2  }
0x198: {  	v41 =	vld [tilespmem:s5+$0x400];
	[smem:$0x7DD] =	sst s0  }
0x199: {  	s0 =	sld [smem:$0x7E1];
	_ =	sdelay $0x2  }
0x19a: {  	v2 =	vpsel p0, v24, v2;
	p0 =	seq.s32 s0, $0x1;
	s0 =	sld [smem:$0x7DD];
	_ =	sdelay $0x2  }
0x19b: {  	v40 =	vld [tilespmem:s5+$0x380];
	[smem:$0x7DD] =	sst s0  }
0x19c: {  	s0 =	sld [smem:$0x7E0];
	_ =	sdelay $0x2  }
0x19d: {  	v2 =	vpsel p0, v30, v2;
	p0 =	seq.s32 s0, $0x1;
	s0 =	sld [smem:$0x7DD];
	_ =	sdelay $0x2  }
0x19e: {  	v36 =	vld [tilespmem:s5+$0x300];
	[smem:$0x7DD] =	sst s0  }
0x19f: {  	s0 =	sld [smem:$0x7DF]  }
0x1a0: {  	vm3 =	vgt.s32 v28, $0x0;
	v22 =	vsel vm1, $0x5, v0  }
0x1a1: {  	v28 =	vnsel vm3, $0x0, v28;
	v22 =	vsel vm0, $0x0, v22;
	vm0 =	vnez.u8 v26  }
0x1a2: {  	v22 =	vsel vm0, v22, v28;
	v2 =	vpsel p0, v63, v2;
	p0 =	seq.s32 s0, $0x1;
	s0 =	sld [smem:$0x7DD]  }
0x1a3: {  	v24 =	vsub.s32 v22, v62;
	v2 =	vpsel p0, v22, v2;
	v22 =	vld [tilespmem:$0x1FFD0];
	_ =	sdelay $0x1  }
0x1a4: {  	vm2 =	vgt.u32 v20, $0x4;
	v20 =	vand.u32 $0xD, v20;
	v34 =	vld [tilespmem:s5+$0x280];
	[smem:$0x7DD] =	sst s0  }
0x1a5: {  	vm0 =	veq.s32 v20, $0x0;
	s0 =	sld [smem:$0x7DE]  }
0x1a6: {  	v20 =	vsel vm0, $0x5, v0;
	vm1 =	vgt.s32 v24, $0x0  }
0x1a7: {  	v20 =	vsel vm2, $0x0, v20;
	v24 =	vnsel vm1, $0x0, v24;
	vm0 =	vnez.u8 v22  }
0x1a8: {  	v55 =	vimm.s32 $0x5;
	vm9 =	veq.s32 v8, $0x7;
	v20 =	vsel vm0, v20, v24;
	p0 =	seq.s32 s0, $0x1  }
0x1a9: {  	p4 =	sne.s32 s2, $0x1C0;
	vm10 =	veq.s32 v9, $0x7;
	vm11 =	veq.s32 v10, $0x7;
	v2 =	vpsel p0, v20, v2  }
.Ltmp0:
0x1aa: {  	vm8 =	veq.s32 v7, $0x7;
	vm1 =	veq.s32 v16, $0x7;
	s0 =	sld [smem:$0x7DD];
	v32 =	vld [tilespmem:s5+$0x200];
	[tilespmem:s1+$0x1400] =	vst v2;
	v2 =	vimm.s32 $0x0;
	(pc) =	sbr.rel @p4 .LBB2_2-.Ltmp0, $4  }
0x1ab: {  	vm7 =	veq.s32 v6, $0x7;
	vm12 =	veq.s32 v11, $0x7;
	s1 =	smov.u32 s5;
	v2 =	vsel vm1, $0xFFFFFFFF, v2  }
0x1ac: {  	vm13 =	veq.s32 v12, $0x7;
	v30 =	vld [tilespmem:s1+$0x180];
	vm1 =	veq.s32 v15, $0x7;
	[tilespmem:$0x1FFE0] =	vst v2;
	v2 =	vimm.s32 $0x0  }
0x1ad: {  	vm4 =	veq.s32 v13, $0x7;
	vm6 =	veq.s32 v5, $0x7;
	v4 =	vmovc v59;
	v3 =	vmovc v58;
	v20 =	vld [tilespmem:s1+$0x0];
	v2 =	vsel vm1, $0xFFFFFFFF, v2  }
0x1ae: {  	s2 =	sadd.s32 $0x40, s2;
	vm14 =	veq.s32 v14, $0x7;
	vm2 =	veq.s32 v4, $0x7;
	vm0 =	veq.s32 v3, $0x7;
	v37 =	vld [tilespmem:s1+$0x100];
	[tilespmem:$0x1FFF0] =	vst v2  }
0x1af: {  	v2 =	vld [tilespmem:s1+$0x80];
	_ =	sdelay $0x7  }
0x1b0: {  	v22 =	vld.idx.msk [tilespmem:v2+s22+$0x0], $0xffff  }
0x1b1: {  	v24 =	vimm.s32 $0x0;
	v33 =	vimm.s32 $0x0  }
0x1b2: {  	v24 =	vsel vm0, $0xFFFFFFFF, v24;
	vm15 =	veq.s32 v20, $0x7;
	vm1 =	veq.s32 v2, $0x7  }
0x1b3: {  	[tilespmem:$0x1FFD0] =	vst v24;
	v24 =	vsel vm2, $0xFFFFFFFF, v33;
	v29 =	vsel vm1, $0x1, v1;
	v2 =	vsel vm15, $0x1, v1  }
0x1b4: {  	v26 =	vld.idx.msk [tilespmem:v37+s22+$0x0], $0xffff;
	v20 =	vsel vm15, $0x7, v55;
	vm2 =	veq.s32 v37, $0x7;
	v2 =	vadd.s32 v2, v29  }
0x1b5: {  	vm0 =	vmand vm15, vm1;
	vm5 =	veq.s32 v2, $0x0;
	v22 =	vsub.s32 v20, v22  }
0x1b6: {  	v28 =	vsel vm2, $0x1, v1;
	vm0 =	vmor vm0, vm5;
	vm3 =	vgt.s32 v22, $0x0  }
0x1b7: {  	v2 =	vadd.s32 v28, v2;
	v35 =	vsel vm0, $0x5, v0;
	v22 =	vnsel vm3, $0x0, v22  }
0x1b8: {  	v29 =	vld.idx.msk [tilespmem:v30+s22+$0x0], $0xffff;
	v37 =	vand.u32 $0x5, v2;
	vm0 =	veq.s32 v30, $0x7;
	v22 =	vsel vm1, v35, v22  }
0x1b9: {  	[tilespmem:$0x1FFC0] =	vst v24;
	vm15 =	veq.s32 v37, $0x0;
	v39 =	vsel vm0, $0x1, v1;
	v24 =	vsub.s32 v22, v26  }
0x1ba: {  	v20 =	vpsel !p6, $0x0, v20;
	v2 =	vadd.s32 v39, v2;
	vm1 =	vgt.s32 v24, $0x0  }
0x1bb: {  	v28 =	vand.u32 $0xD, v2;
	v26 =	vsel vm15, $0x5, v0;
	v24 =	vnsel vm1, $0x0, v24  }
0x1bc: {  	v42 =	vld.idx.msk [tilespmem:v32+s22+$0x0], $0xffff;
	vm15 =	veq.s32 v28, $0x0;
	vm1 =	veq.s32 v32, $0x7;
	v24 =	vsel vm2, v26, v24  }
0x1bd: {  	v20 =	vpsel p5, v22, v20;
	v43 =	vsel vm1, $0x1, v1;
	v26 =	vsub.s32 v24, v29  }
0x1be: {  	v28 =	vsel vm15, $0x5, v0;
	v2 =	vadd.s32 v43, v2;
	vm2 =	vgt.s32 v26, $0x0  }
0x1bf: {  	v20 =	vpsel p3, v24, v20;
	v29 =	vand.u32 $0x1D, v2;
	v26 =	vnsel vm2, $0x0, v26  }
0x1c0: {  	vm15 =	vgt.u32 v2, $0x4;
	vm5 =	veq.s32 v29, $0x0;
	v26 =	vsel vm0, v28, v26  }
0x1c1: {  	v44 =	vld.idx.msk [tilespmem:v34+s22+$0x0], $0xffff;
	vm0 =	veq.s32 v34, $0x7;
	v45 =	vsel vm5, $0x5, v0;
	v30 =	vsub.s32 v26, v42  }
0x1c2: {  	v46 =	vsel vm0, $0x1, v1;
	v28 =	vsel vm15, $0x0, v45;
	vm2 =	vgt.s32 v30, $0x0  }
0x1c3: {  	v20 =	vpsel p2, v26, v20;
	v29 =	vadd.s32 v46, v2;
	v2 =	vnsel vm2, $0x0, v30  }
0x1c4: {  	v47 =	vand.u32 $0xFFFFFFFD, v29;
	v49 =	vmin.u32 v29, $0x5;
	vm2 =	vgt.u32 v29, $0x4  }
0x1c5: {  	v28 =	vsel vm1, v28, v2;
	vm1 =	veq.s32 v36, $0x7;
	vm5 =	veq.s32 v47, $0x0  }
0x1c6: {  	v33 =	vld.idx.msk [tilespmem:v36+s22+$0x0], $0xffff;
	v2 =	vsel vm5, $0x5, v0;
	v48 =	vsel vm1, $0x1, v1;
	v32 =	vsub.s32 v28, v44  }
0x1c7: {  	s2 =	sld [smem:$0x7F8];
	v20 =	vpsel p1, v28, v20;
	vm15 =	vgt.s32 v32, $0x0;
	v30 =	vadd.s32 v48, v49  }
0x1c8: {  	v2 =	vsel vm2, $0x0, v2;
	v50 =	vnsel vm15, $0x0, v32;
	v34 =	vmin.u32 v30, $0x5  }
0x1c9: {  	v29 =	vsel vm0, v2, v50;
	vm0 =	veq.s32 v40, $0x7;
	v2 =	vand.u32 $0xD, v30  }
0x1ca: {  	p0 =	seq.s32 s2, $0x1;
	v35 =	vld.idx.msk [tilespmem:v40+s22+$0x0], $0xffff;
	vm2 =	vgt.u32 v30, $0x4;
	v51 =	vsel vm0, $0x1, v1;
	vm5 =	veq.s32 v2, $0x0  }
0x1cb: {  	v33 =	vsub.s32 v29, v33;
	v20 =	vpsel p0, v29, v20;
	v32 =	vadd.s32 v51, v34  }
0x1cc: {  	s5 =	sld [smem:$0x7F7];
	v2 =	vsel vm5, $0x5, v0;
	vm15 =	vgt.s32 v33, $0x0;
	v34 =	vand.u32 $0xD, v32  }
0x1cd: {  	v52 =	vnsel vm15, $0x0, v33;
	v2 =	vsel vm2, $0x0, v2;
	v55 =	vmin.u32 v32, $0x5  }
0x1ce: {  	vm2 =	vgt.u32 v32, $0x4;
	vm5 =	veq.s32 v34, $0x0;
	v30 =	vsel vm1, v2, v52  }
0x1cf: {  	v53 =	vld.idx.msk [tilespmem:v41+s22+$0x0], $0xffff;
	p5 =	seq.s32 s5, $0x1;
	vm1 =	veq.s32 v41, $0x7;
	v2 =	vsel vm5, $0x5, v0;
	v35 =	vsub.s32 v30, v35  }
0x1d0: {  	v54 =	vsel vm1, $0x1, v1;
	v20 =	vpsel p5, v30, v20;
	vm15 =	vgt.s32 v35, $0x0  }
0x1d1: {  	s5 =	sld [smem:$0x7F6];
	v34 =	vadd.s32 v54, v55;
	v2 =	vsel vm2, $0x0, v2;
	v56 =	vnsel vm15, $0x0, v35  }
0x1d2: {  	v57 =	vand.u32 $0xD, v34;
	v60 =	vmin.u32 v34, $0x5;
	vm2 =	vgt.u32 v34, $0x4  }
0x1d3: {  	v32 =	vsel vm0, v2, v56;
	vm0 =	veq.s32 v38, $0x7;
	vm5 =	veq.s32 v57, $0x0  }
0x1d4: {  	v59 =	vld.idx.msk [tilespmem:v38+s22+$0x0], $0xffff;
	p6 =	seq.s32 s5, $0x1;
	v2 =	vsel vm5, $0x5, v0;
	v58 =	vsel vm0, $0x1, v1;
	v33 =	vsub.s32 v32, v53  }
0x1d5: {  	s5 =	sld [smem:$0x7F5];
	v20 =	vpsel p6, v32, v20;
	vm15 =	vgt.s32 v33, $0x0;
	v61 =	vadd.s32 v58, v60  }
0x1d6: {  	v2 =	vsel vm2, $0x0, v2;
	v33 =	vnsel vm15, $0x0, v33;
	v37 =	vmin.u32 v61, $0x5  }
0x1d7: {  	v33 =	vsel vm1, v2, v33;
	vm1 =	veq.s32 v31, $0x7;
	v2 =	vand.u32 $0xD, v61  }
0x1d8: {  	v63 =	vld.idx.msk [tilespmem:v31+s22+$0x0], $0xffff;
	p1 =	seq.s32 s5, $0x1;
	vm2 =	vgt.u32 v61, $0x4;
	v62 =	vsel vm1, $0x1, v1;
	vm5 =	veq.s32 v2, $0x0  }
0x1d9: {  	v40 =	vsub.s32 v33, v59;
	v20 =	vpsel p1, v33, v20;
	v35 =	vadd.s32 v62, v37  }
0x1da: {  	s5 =	sld [smem:$0x7F4];
	v2 =	vsel vm5, $0x5, v0;
	vm15 =	vgt.s32 v40, $0x0;
	v41 =	vand.u32 $0xD, v35  }
0x1db: {  	v31 =	vnsel vm15, $0x0, v40;
	v2 =	vsel vm2, $0x0, v2;
	v44 =	vmin.u32 v35, $0x5  }
0x1dc: {  	vm2 =	vgt.u32 v35, $0x4;
	vm5 =	veq.s32 v41, $0x0;
	v31 =	vsel vm0, v2, v31  }
0x1dd: {  	v42 =	vld.idx.msk [tilespmem:v27+s22+$0x0], $0xffff;
	p2 =	seq.s32 s5, $0x1;
	vm0 =	veq.s32 v27, $0x7;
	v2 =	vsel vm5, $0x5, v0;
	v45 =	vsub.s32 v31, v63  }
0x1de: {  	v43 =	vsel vm0, $0x1, v1;
	v20 =	vpsel p2, v31, v20;
	vm15 =	vgt.s32 v45, $0x0  }
0x1df: {  	s5 =	sld [smem:$0x7F3];
	v36 =	vadd.s32 v43, v44;
	v2 =	vsel vm2, $0x0, v2;
	v46 =	vnsel vm15, $0x0, v45  }
0x1e0: {  	v47 =	vand.u32 $0xD, v36;
	v51 =	vmin.u32 v36, $0x5;
	vm2 =	vgt.u32 v36, $0x4  }
0x1e1: {  	v27 =	vsel vm1, v2, v46;
	vm1 =	veq.s32 v25, $0x7;
	vm5 =	veq.s32 v47, $0x0  }
0x1e2: {  	v49 =	vld.idx.msk [tilespmem:v25+s22+$0x0], $0xffff;
	p3 =	seq.s32 s5, $0x1;
	v2 =	vsel vm5, $0x5, v0;
	v48 =	vsel vm1, $0x1, v1;
	v50 =	vsub.s32 v27, v42  }
0x1e3: {  	v20 =	vpsel p3, v27, v20;
	vm15 =	vgt.s32 v50, $0x0;
	v34 =	vadd.s32 v48, v51  }
0x1e4: {  	v2 =	vsel vm2, $0x0, v2;
	v25 =	vnsel vm15, $0x0, v50;
	v53 =	vmin.u32 v34, $0x5  }
0x1e5: {  	v25 =	vsel vm0, v2, v25;
	vm0 =	veq.s32 v23, $0x7;
	v2 =	vand.u32 $0xD, v34  }
0x1e6: {  	v54 =	vld.idx.msk [tilespmem:v23+s22+$0x0], $0xffff;
	vm2 =	vgt.u32 v34, $0x4;
	v52 =	vsel vm0, $0x1, v1;
	vm5 =	veq.s32 v2, $0x0  }
0x1e7: {  	v55 =	vsub.s32 v25, v49;
	v2 =	vsel vm5, $0x5, v0;
	v35 =	vadd.s32 v52, v53  }
0x1e8: {  	vm15 =	vgt.s32 v55, $0x0;
	v36 =	vand.u32 $0xD, v35;
	v2 =	vsel vm2, $0x0, v2  }
0x1e9: {  	v23 =	vnsel vm15, $0x0, v55;
	v58 =	vmin.u32 v35, $0x5;
	vm2 =	vgt.u32 v35, $0x4  }
0x1ea: {  	v56 =	vld.idx.msk [tilespmem:v21+s22+$0x0], $0xffff;
	vm5 =	veq.s32 v36, $0x0;
	v23 =	vsel vm1, v2, v23;
	vm1 =	veq.s32 v21, $0x7  }
0x1eb: {  	v2 =	vsel vm5, $0x5, v0;
	v57 =	vsel vm1, $0x1, v1;
	v59 =	vsub.s32 v23, v54  }
0x1ec: {  	v36 =	vadd.s32 v57, v58;
	vm15 =	vgt.s32 v59, $0x0;
	v2 =	vsel vm2, $0x0, v2  }
0x1ed: {  	v60 =	vnsel vm15, $0x0, v59;
	v61 =	vand.u32 $0xD, v36;
	v40 =	vmin.u32 v36, $0x5  }
0x1ee: {  	vm2 =	vgt.u32 v36, $0x4;
	v21 =	vsel vm0, v2, v60;
	vm0 =	veq.s32 v19, $0x7  }
0x1ef: {  	v63 =	vld.idx.msk [tilespmem:v19+s22+$0x0], $0xffff;
	vm5 =	veq.s32 v61, $0x0;
	v61 =	vsel vm14, $0x1, v1;
	v39 =	vsub.s32 v21, v56  }
0x1f0: {  	v2 =	vsel vm5, $0x5, v0;
	v62 =	vsel vm0, $0x1, v1;
	vm15 =	vgt.s32 v39, $0x0  }
0x1f1: {  	v2 =	vsel vm2, $0x0, v2;
	v34 =	vadd.s32 v62, v40;
	v19 =	vnsel vm15, $0x0, v39  }
0x1f2: {  	v42 =	vmin.u32 v34, $0x5;
	v19 =	vsel vm1, v2, v19;
	v2 =	vand.u32 $0xD, v34  }
0x1f3: {  	vm2 =	vgt.u32 v34, $0x4;
	vm1 =	veq.s32 v18, $0x7;
	vm5 =	veq.s32 v2, $0x0  }
0x1f4: {  	v43 =	vld.idx.msk [tilespmem:v18+s22+$0x0], $0xffff;
	v41 =	vsel vm1, $0x1, v1;
	v44 =	vsub.s32 v19, v63;
	v2 =	vsel vm5, $0x5, v0  }
0x1f5: {  	v52 =	vld [tilespmem:$0x1FFE0];
	v35 =	vadd.s32 v41, v42;
	vm15 =	vgt.s32 v44, $0x0;
	v41 =	vsel vm4, $0x1, v1  }
0x1f6: {  	v36 =	vand.u32 $0xD, v35;
	v2 =	vsel vm2, $0x0, v2;
	v18 =	vnsel vm15, $0x0, v44  }
0x1f7: {  	v47 =	vmin.u32 v35, $0x5;
	vm2 =	vgt.u32 v35, $0x4;
	v44 =	vsel vm13, $0x1, v1  }
0x1f8: {  	vm5 =	veq.s32 v36, $0x0;
	v18 =	vsel vm0, v2, v18;
	vm0 =	veq.s32 v17, $0x7  }
0x1f9: {  	v2 =	vld.idx.msk [tilespmem:v17+s22+$0x0], $0xffff;
	v45 =	vsel vm5, $0x5, v0;
	v46 =	vsel vm0, $0x1, v1;
	v48 =	vsub.s32 v18, v43  }
0x1fa: {  	vm5 =	vnez.u8 v52;
	v36 =	vadd.s32 v46, v47;
	vm15 =	vgt.s32 v48, $0x0  }
0x1fb: {  	v49 =	vsel vm2, $0x0, v45;
	v37 =	vsel vm5, $0x1, v1;
	v50 =	vnsel vm15, $0x0, v48  }
0x1fc: {  	v58 =	vld [tilespmem:$0x1FFF0];
	v51 =	vand.u32 $0xD, v36;
	v54 =	vmin.u32 v36, $0x5;
	v17 =	vsel vm1, v49, v50  }
0x1fd: {  	vm15 =	veq.s32 v51, $0x0;
	vm1 =	vgt.u32 v36, $0x4;
	v55 =	vadd.s32 v37, v54  }
0x1fe: {  	v53 =	vld.idx.msk [tilespmem:v16+s22+$0x0], $0xffff;
	v50 =	vsel vm12, $0x1, v1;
	v54 =	vsel vm11, $0x1, v1;
	v2 =	vsub.s32 v17, v2  }
0x1ff: {  	v35 =	vsel vm15, $0x5, v0;
	v57 =	vand.u32 $0xD, v55;
	vm15 =	vgt.s32 v2, $0x0  }
0x200: {  	v60 =	vmin.u32 v55, $0x5;
	v56 =	vsel vm1, $0x0, v35;
	v2 =	vnsel vm15, $0x0, v2  }
0x201: {  	vm15 =	vnez.u8 v58;
	v16 =	vsel vm0, v56, v2;
	vm0 =	veq.s32 v57, $0x0  }
0x202: {  	v37 =	vsel vm15, $0x1, v1;
	v59 =	vsel vm0, $0x5, v0;
	vm0 =	vgt.u32 v55, $0x4  }
0x203: {  	v2 =	vld.idx.msk [tilespmem:v15+s22+$0x0], $0xffff;
	v34 =	vsub.s32 v16, v53;
	v35 =	vadd.s32 v37, v60;
	v53 =	vsel vm9, $0x1, v1  }
0x204: {  	v55 =	vsel vm10, $0x1, v1;
	v15 =	vsel vm0, $0x0, v59;
	vm0 =	vgt.s32 v34, $0x0  }
0x205: {  	v37 =	vmin.u32 v35, $0x5;
	v62 =	vand.u32 $0xD, v35;
	v34 =	vnsel vm0, $0x0, v34  }
0x206: {  	v39 =	vld.idx.msk [tilespmem:v14+s22+$0x0], $0xffff;
	vm0 =	vgt.u32 v35, $0x4;
	v63 =	vadd.s32 v61, v37;
	v14 =	vsel vm5, v15, v34  }
0x207: {  	s5 =	sld [smem:$0x7F2];
	vm5 =	veq.s32 v62, $0x0;
	v40 =	vand.u32 $0xD, v63;
	v34 =	vmin.u32 v63, $0x5  }
0x208: {  	v2 =	vsub.s32 v14, v2;
	v38 =	vsel vm5, $0x5, v0;
	v34 =	vadd.s32 v41, v34  }
0x209: {  	vm5 =	vgt.s32 v2, $0x0;
	v15 =	vsel vm0, $0x0, v38;
	v36 =	vmin.u32 v34, $0x5  }
0x20a: {  	p4 =	seq.s32 s5, $0x1;
	s5 =	sld [smem:$0x7F1];
	v45 =	vand.u32 $0xD, v34;
	v2 =	vnsel vm5, $0x0, v2;
	vm5 =	veq.s32 v40, $0x0  }
0x20b: {  	v47 =	vadd.s32 v44, v36;
	v15 =	vsel vm15, v15, v2;
	v2 =	vld.idx.msk [tilespmem:v13+s22+$0x0], $0xffff;
	v42 =	vsel vm5, $0x5, v0  }
0x20c: {  	vm15 =	vgt.u32 v63, $0x4;
	v49 =	vand.u32 $0xD, v47;
	v43 =	vsub.s32 v15, v39  }
0x20d: {  	p5 =	seq.s32 s5, $0x1;
	s5 =	sld [smem:$0x7F0];
	v13 =	vsel vm15, $0x0, v42;
	vm15 =	veq.s32 v45, $0x0;
	vm5 =	vgt.s32 v43, $0x0  }
0x20e: {  	v48 =	vsel vm15, $0x5, v0;
	vm15 =	vgt.u32 v47, $0x4;
	v35 =	vnsel vm5, $0x0, v43  }
0x20f: {  	v46 =	vld.idx.msk [tilespmem:v12+s22+$0x0], $0xffff;
	v43 =	vsel vm8, $0x1, v1;
	v12 =	vsel vm14, v13, v35;
	vm14 =	vgt.u32 v34, $0x4  }
0x210: {  	p6 =	seq.s32 s5, $0x1;
	s5 =	sld [smem:$0x7EF];
	v13 =	vmin.u32 v47, $0x5;
	v2 =	vsub.s32 v12, v2;
	v34 =	vsel vm14, $0x0, v48  }
0x211: {  	vm14 =	veq.s32 v49, $0x0;
	v13 =	vadd.s32 v50, v13;
	vm5 =	vgt.s32 v2, $0x0  }
0x212: {  	v50 =	vpsel p4, v25, v20;
	v51 =	vsel vm14, $0x5, v0;
	v2 =	vnsel vm5, $0x0, v2  }
0x213: {  	v11 =	vld.idx.msk [tilespmem:v11+s22+$0x0], $0xffff;
	p1 =	seq.s32 s5, $0x1;
	s5 =	sld [smem:$0x7EE];
	v56 =	vand.u32 $0xD, v13;
	v57 =	vmin.u32 v13, $0x5;
	v2 =	vsel vm4, v34, v2  }
0x214: {  	vm5 =	veq.s32 v56, $0x0;
	v59 =	vadd.s32 v54, v57;
	v52 =	vsub.s32 v2, v46  }
0x215: {  	v34 =	vsel vm15, $0x0, v51;
	v36 =	vmin.u32 v59, $0x5;
	vm4 =	vgt.s32 v52, $0x0  }
0x216: {  	p2 =	seq.s32 s5, $0x1;
	s5 =	sld [smem:$0x7ED];
	v58 =	vsel vm5, $0x5, v0;
	v36 =	vadd.s32 v55, v36;
	v35 =	vnsel vm4, $0x0, v52  }
0x217: {  	v10 =	vld.idx.msk [tilespmem:v10+s22+$0x0], $0xffff;
	vm15 =	vgt.u32 v59, $0x4;
	v60 =	vmin.u32 v36, $0x5;
	v34 =	vsel vm13, v34, v35  }
0x218: {  	vm13 =	vgt.u32 v13, $0x4;
	v13 =	vand.u32 $0xD, v59;
	v11 =	vsub.s32 v34, v11  }
0x219: {  	p3 =	seq.s32 s5, $0x1;
	s5 =	sld [smem:$0x7EC];
	v35 =	vsel vm13, $0x0, v58;
	vm4 =	veq.s32 v13, $0x0;
	vm14 =	vgt.s32 v11, $0x0  }
0x21a: {  	v13 =	vadd.s32 v53, v60;
	v62 =	vsel vm4, $0x5, v0;
	v11 =	vnsel vm14, $0x0, v11  }
0x21b: {  	v41 =	vand.u32 $0xD, v13;
	v63 =	vsel vm15, $0x0, v62;
	v11 =	vsel vm12, v35, v11  }
0x21c: {  	p4 =	seq.s32 s5, $0x1;
	s5 =	sld [smem:$0x7EB];
	vm15 =	vgt.u32 v13, $0x4;
	v13 =	vmin.u32 v13, $0x5;
	v10 =	vsub.s32 v11, v10  }
0x21d: {  	v13 =	vadd.s32 v43, v13;
	vm12 =	vgt.s32 v10, $0x0  }
0x21e: {  	v37 =	vand.u32 $0xD, v13;
	v46 =	vmin.u32 v13, $0x5;
	v10 =	vnsel vm12, $0x0, v10  }
0x21f: {  	v10 =	vsel vm11, v63, v10;
	vm11 =	vgt.u32 v13, $0x4;
	v13 =	vpsel p5, v23, v50;
	p5 =	seq.s32 s5, $0x1;
	s5 =	sld [smem:$0x7EA];
	_ =	sdelay $0x2  }
0x220: {  	v13 =	vpsel p6, v21, v13;
	p6 =	seq.s32 s5, $0x1;
	s5 =	sld [smem:$0x7E9];
	_ =	sdelay $0x2  }
0x221: {  	v13 =	vpsel p1, v19, v13;
	p1 =	seq.s32 s5, $0x1;
	s5 =	sld [smem:$0x7E8];
	_ =	sdelay $0x1  }
0x222: {  	v9 =	vld.idx.msk [tilespmem:v9+s22+$0x0], $0xffff  }
0x223: {  	v13 =	vpsel p2, v18, v13;
	p2 =	seq.s32 s5, $0x1;
	s5 =	sld [smem:$0x7E7]  }
0x224: {  	v61 =	vand.u32 $0xD, v36  }
0x225: {  	v44 =	vsel vm7, $0x1, v1;
	vm5 =	veq.s32 v61, $0x0  }
0x226: {  	v8 =	vld.idx.msk [tilespmem:v8+s22+$0x0], $0xffff;
	v48 =	vsel vm6, $0x1, v1;
	v40 =	vsel vm5, $0x5, v0;
	v13 =	vpsel p3, v17, v13;
	p3 =	seq.s32 s5, $0x1;
	s5 =	sld [smem:$0x7E6]  }
0x227: {  	vm13 =	vgt.u32 v36, $0x4;
	vm14 =	veq.s32 v41, $0x0;
	v9 =	vsub.s32 v10, v9  }
0x228: {  	v36 =	vsel vm13, $0x0, v40;
	v42 =	vsel vm14, $0x5, v0;
	vm4 =	vgt.s32 v9, $0x0  }
0x229: {  	v35 =	vsel vm15, $0x0, v42;
	v9 =	vnsel vm4, $0x0, v9;
	v13 =	vpsel p4, v16, v13;
	p4 =	seq.s32 s5, $0x1;
	s5 =	sld [smem:$0x7E5]  }
0x22a: {  	v7 =	vld.idx.msk [tilespmem:v7+s22+$0x0], $0xffff;
	vm5 =	veq.s32 v37, $0x0;
	v47 =	vadd.s32 v44, v46;
	v9 =	vsel vm10, v36, v9  }
0x22b: {  	v45 =	vsel vm5, $0x5, v0;
	v24 =	vand.u32 $0xD, v47;
	v8 =	vsub.s32 v9, v8  }
0x22c: {  	v49 =	vmin.u32 v47, $0x5;
	vm10 =	vgt.s32 v8, $0x0;
	v13 =	vpsel p5, v14, v13;
	p5 =	seq.s32 s5, $0x1;
	s5 =	sld [smem:$0x7E4]  }
0x22d: {  	vm14 =	vgt.u32 v47, $0x4;
	vm12 =	veq.s32 v24, $0x0;
	v8 =	vnsel vm10, $0x0, v8  }
0x22e: {  	v6 =	vld.idx.msk [tilespmem:v6+s22+$0x0], $0xffff;
	v51 =	vadd.s32 v48, v49;
	v22 =	vsel vm11, $0x0, v45;
	v8 =	vsel vm9, v35, v8  }
0x22f: {  	v24 =	vsel vm12, $0x5, v0;
	v13 =	vpsel p6, v15, v13;
	v7 =	vsub.s32 v8, v7;
	p6 =	seq.s32 s5, $0x1;
	s5 =	sld [smem:$0x7E3]  }
0x230: {  	v57 =	vld [tilespmem:$0x1FFD0];
	v53 =	vand.u32 $0xD, v51;
	v56 =	vmin.u32 v51, $0x5;
	vm13 =	vgt.s32 v7, $0x0  }
0x231: {  	v55 =	vld [tilespmem:$0x1FFC0];
	v52 =	vsel vm14, $0x0, v24;
	vm5 =	veq.s32 v53, $0x0;
	v7 =	vnsel vm13, $0x0, v7  }
0x232: {  	v5 =	vld.idx.msk [tilespmem:v5+s22+$0x0], $0xffff;
	vm4 =	vgt.u32 v51, $0x4;
	v12 =	vpsel p1, v12, v13;
	v7 =	vsel vm8, v22, v7;
	p1 =	seq.s32 s5, $0x1;
	s5 =	sld [smem:$0x7E2]  }
0x233: {  	v54 =	vsel vm5, $0x5, v0;
	v2 =	vpsel p2, v2, v12;
	v6 =	vsub.s32 v7, v6  }
0x234: {  	v16 =	vsel vm4, $0x0, v54;
	v2 =	vpsel p3, v34, v2;
	vm15 =	vgt.s32 v6, $0x0  }
0x235: {  	vm9 =	vnez.u8 v57;
	v6 =	vnsel vm15, $0x0, v6;
	v2 =	vpsel p4, v11, v2;
	p2 =	seq.s32 s5, $0x1;
	s5 =	sld [smem:$0x7E1]  }
0x236: {  	v4 =	vld.idx.msk [tilespmem:v4+s22+$0x0], $0xffff;
	vm8 =	vnez.u8 v55;
	v6 =	vsel vm7, v52, v6;
	v2 =	vpsel p5, v10, v2  }
0x237: {  	v14 =	vsel vm8, $0x1, v1;
	v5 =	vsub.s32 v6, v5;
	v2 =	vpsel p6, v9, v2  }
0x238: {  	v14 =	vadd.s32 v14, v56;
	vm7 =	vgt.s32 v5, $0x0;
	v2 =	vpsel p1, v8, v2;
	p3 =	seq.s32 s5, $0x1;
	s5 =	simm.s32 $0x0  }
0x239: {  	v5 =	vnsel vm7, $0x0, v5;
	v2 =	vpsel p2, v7, v2;
	v7 =	vmov s5;
	s5 =	sld [smem:$0x7E0]  }
0x23a: {  	v3 =	vld.idx.msk [tilespmem:v3+s22+$0x0], $0xffff;
	v15 =	vsel vm9, $0x1, v1;
	v58 =	vand.u32 $0xD, v14;
	v5 =	vsel vm6, v16, v5  }
0x23b: {  	v60 =	vmin.u32 v14, $0x5;
	vm10 =	veq.s32 v58, $0x0;
	v4 =	vsub.s32 v5, v4  }
0x23c: {  	vm12 =	vgt.u32 v14, $0x4;
	v59 =	vsel vm10, $0x5, v0;
	vm11 =	vgt.s32 v4, $0x0;
	p4 =	seq.s32 s5, $0x1;
	s5 =	sld [smem:$0x7DF]  }
0x23d: {  	v61 =	vadd.s32 v15, v60;
	v62 =	vsel vm12, $0x0, v59;
	v4 =	vnsel vm11, $0x0, v4  }
0x23e: {  	v63 =	vand.u32 $0xD, v61;
	v4 =	vsel vm8, v62, v4  }
0x23f: {  	vm13 =	vgt.u32 v61, $0x4;
	vm14 =	veq.s32 v63, $0x0;
	v3 =	vsub.s32 v4, v3;
	p5 =	seq.s32 s5, $0x1;
	s5 =	sld [smem:$0x7DE]  }
0x240: {  	vm15 =	vgt.s32 v3, $0x0;
	v2 =	vpsel p3, v6, v2;
	v6 =	vsel vm14, $0x5, v0  }
0x241: {  	v3 =	vnsel vm15, $0x0, v3;
	v6 =	vsel vm13, $0x0, v6;
	v2 =	vpsel p4, v5, v2  }
0x242: {  	v3 =	vsel vm9, v6, v3;
	v2 =	vpsel p5, v4, v2;
	p6 =	seq.s32 s5, $0x1  }
0x243: {  	v2 =	vpsel p6, v3, v2  }
0x244: {  	[tilespmem:s1+$0x1400] =	vst v2  }
0x245: {  	s2 =	simm.s32 $0x1;
	v2 =	vld.idx.msk [tilespmem:v7+s28+$0x0], $0xffff  }
0x246: {  	v3 =	vmov s2;
	_ =	sdelay $0x2  }
0x247: {  	s1 =	simm.s32 $0x1480  }
0x248: {  	[tilespmem:s1+$0x0] =	vst v2  }
0x249: {  	s5 =	simm.s32 $0x2;
	v3 =	vld.idx.msk [tilespmem:v3+s28+$0x0], $0xffff  }
0x24a: {  	v4 =	vmov s5;
	s2 =	simm.s32 $0x3  }
.LBB2_4:
0x24b: {  	p4 =	sne.s32 s2, $0x7F;
	_ =	sdelay $0x1  }
.Ltmp1:
0x24c: {  	s1 =	sadd.s32 $0x80, s1;
	(pc) =	sbr.rel @p4 .LBB2_4-.Ltmp1, $3  }
0x24d: {  	[tilespmem:s1+$0x0] =	vst v3  }
0x24e: {  	v3 =	vld.idx.msk [tilespmem:v4+s28+$0x0], $0xffff;
	_ =	sdelay $0x1  }
0x24f: {  	v4 =	vmov s2;
	s2 =	sadd.s32 $0x1, s2  }
0x250: {  	_ =	sdelay $0x1  }
0x251: {  	s1 =	sadd.s32 $0x80, s1  }
0x252: {  	[tilespmem:s1+$0x0] =	vst v3  }
0x253: {  	v2 =	vld.idx.msk [tilespmem:v4+s28+$0x0], $0xffff;
	_ =	sdelay $0x3  }
0x254: {  	s1 =	sadd.s32 $0x80, s1  }
0x255: {  	[tilespmem:s1+$0x0] =	vst v2  }
0x256: {  	_ =	swait.ge [sflag:s29], $0x4000  }
0x257: {  	[sflag:s29] =	ssyncset.done $0x0  }
0x258: {  	[sflag:s29] =	ssyncadd.s32 $0xFFFFC000  }
0x259: {  	[hbm4b:s7+s4] =	stream.linear.scatter [tilespmem:s23], [sflag:$0x5], $0x4000, $0x38;
	[tilespmem:$0xD480] =	vst v63  }
0x25a: {  	_ = 	snop  }
0x25b: {  	[tilespmem:s23], [sflag:$0x3] =	stream.linear.gather [hbm4b:s8+s4], $0x4000, $0x38;
	[tilespmem:$0xD480] =	vst v63  }
0x25c: {  	_ =	swait.ge [sflag:s30], $0x4000  }
0x25d: {  	[sflag:s30] =	ssyncset.done $0x0  }
0x25e: {  	[sflag:s30] =	ssyncadd.s32 $0xFFFFC000  }
0x25f: {  	[hbm4b:s9+s4] =	stream.linear.scatter [tilespmem:s24], [sflag:$0x6], $0x4000, $0x38;
	[tilespmem:$0xD480] =	vst v63  }
0x260: {  	_ = 	snop  }
0x261: {  	[tilespmem:s24], [sflag:$0x4] =	stream.linear.gather [hbm4b:s10+s4], $0x4000, $0x38;
	[tilespmem:$0xD480] =	vst v63  }
0x262: {  	_ =	swait.ge [sflag:s29], $0x4000  }
0x263: {  	[sflag:s29] =	ssyncset.done $0x0  }
0x264: {  	[sflag:s29] =	ssyncadd.s32 $0xFFFFC000  }
0x265: {  	_ =	swait.ge [sflag:s31], $0x4000  }
0x266: {  	[sflag:s31] =	ssyncset.done $0x0  }
0x267: {  	[sflag:s31] =	ssyncadd.s32 $0xFFFFC000  }
0x268: {  	[hbm4b:s11+s4] =	stream.linear.scatter [tilespmem:s23], [sflag:$0x5], $0x4000, $0x38;
	[tilespmem:$0xD480] =	vst v63  }
0x269: {  	_ = 	snop  }
0x26a: {  	[tilespmem:s23], [sflag:$0x3] =	stream.linear.gather [hbm4b:s12+s4], $0x4000, $0x38;
	[tilespmem:$0xD480] =	vst v63  }
0x26b: {  	_ =	swait.ge [sflag:s30], $0x4000  }
0x26c: {  	[sflag:s30] =	ssyncset.done $0x0  }
0x26d: {  	[sflag:s30] =	ssyncadd.s32 $0xFFFFC000  }
0x26e: {  	_ =	swait.ge [sflag:s0], $0x4000  }
0x26f: {  	[sflag:s0] =	ssyncset.done $0x0  }
0x270: {  	[sflag:s0] =	ssyncadd.s32 $0xFFFFC000  }
0x271: {  	[hbm4b:s13+s4] =	stream.linear.scatter [tilespmem:s24], [sflag:$0x6], $0x4000, $0x38;
	[tilespmem:$0xD480] =	vst v63  }
0x272: {  	_ = 	snop  }
0x273: {  	[tilespmem:s24], [sflag:$0x4] =	stream.linear.gather [hbm4b:s14+s4], $0x4000, $0x38;
	[tilespmem:$0xD480] =	vst v63  }
0x274: {  	_ =	swait.ge [sflag:s29], $0x4000  }
0x275: {  	[sflag:s29] =	ssyncset.done $0x0  }
0x276: {  	[sflag:s29] =	ssyncadd.s32 $0xFFFFC000  }
0x277: {  	_ =	swait.ge [sflag:s31], $0x4000  }
0x278: {  	[sflag:s31] =	ssyncset.done $0x0  }
0x279: {  	[sflag:s31] =	ssyncadd.s32 $0xFFFFC000  }
0x27a: {  	[hbm4b:s15+s4] =	stream.linear.scatter [tilespmem:s23], [sflag:$0x5], $0x4000, $0x38;
	[tilespmem:$0xD480] =	vst v63  }
0x27b: {  	_ = 	snop  }
0x27c: {  	[tilespmem:s23], [sflag:$0x3] =	stream.linear.gather [hbm4b:s16+s4], $0x4000, $0x38;
	[tilespmem:$0xD480] =	vst v63  }
0x27d: {  	_ =	swait.ge [sflag:s30], $0x4000  }
0x27e: {  	[sflag:s30] =	ssyncset.done $0x0  }
0x27f: {  	[sflag:s30] =	ssyncadd.s32 $0xFFFFC000  }
0x280: {  	_ =	swait.ge [sflag:s0], $0x4000  }
0x281: {  	[sflag:s0] =	ssyncset.done $0x0  }
0x282: {  	[sflag:s0] =	ssyncadd.s32 $0xFFFFC000  }
0x283: {  	[hbm4b:s17+s4] =	stream.linear.scatter [tilespmem:s24], [sflag:$0x6], $0x4000, $0x38;
	[tilespmem:$0xD480] =	vst v63  }
0x284: {  	_ = 	snop  }
0x285: {  	[tilespmem:s24], [sflag:$0x4] =	stream.linear.gather [hbm4b:s18+s4], $0x4000, $0x38;
	[tilespmem:$0xD480] =	vst v63  }
0x286: {  	_ =	swait.ge [sflag:s29], $0x4000  }
0x287: {  	[sflag:s29] =	ssyncset.done $0x0  }
0x288: {  	[sflag:s29] =	ssyncadd.s32 $0xFFFFC000  }
0x289: {  	_ =	swait.ge [sflag:s31], $0x4000  }
0x28a: {  	[sflag:s31] =	ssyncset.done $0x0  }
0x28b: {  	[sflag:s31] =	ssyncadd.s32 $0xFFFFC000  }
0x28c: {  	[hbm4b:s19+s4] =	stream.linear.scatter [tilespmem:s23], [sflag:$0x5], $0x4000, $0x38;
	[tilespmem:$0xD480] =	vst v63  }
0x28d: {  	_ =	swait.ge [sflag:s30], $0x4000  }
0x28e: {  	[sflag:s30] =	ssyncset.done $0x0  }
0x28f: {  	[sflag:s30] =	ssyncadd.s32 $0xFFFFC000  }
0x290: {  	_ =	swait.ge [sflag:s0], $0x4000  }
0x291: {  	[sflag:s0] =	ssyncset.done $0x0  }
0x292: {  	s3 =	sadd.s32 $0x1, s3;
	[sflag:s0] =	ssyncadd.s32 $0xFFFFC000  }
0x293: {  	[hbm4b:s20+s4] =	stream.linear.scatter [tilespmem:s24], [sflag:$0x6], $0x4000, $0x38;
	[tilespmem:$0xD480] =	vst v63  }
0x294: {  	p4 =	sne.s32 s3, s21;
	_ =	swait.ge [sflag:s31], $0x4000  }
.Ltmp2:
0x295: {  	[sflag:s31] =	ssyncset.done $0x0;
	(pc) =	sbr.rel @p4 .LBB2_1-.Ltmp2, $4  }
0x296: {  	[sflag:s31] =	ssyncadd.s32 $0xFFFFC000  }
0x297: {  	_ =	swait.ge [sflag:s0], $0x4000  }
0x298: {  	[sflag:s0] =	ssyncset.done $0x0  }
0x299: {  	[sflag:s0] =	ssyncadd.s32 $0xFFFFC000  }
0x29a: {  	_ =	sfence.sel $0x180000  }
0x29b: {  	[bflag:$0x0] =	sbarrier.arrive $0xFFFF  }
0x29c: {  	_ =	strace $0x90000047  }
0x29d: {  	s0 =	stileid.u32;
	[bflag:$0x2] =	sbarrier.arrive $0xFFFF  }
0x29e: {  	p0 =	sne.s32 s0, $0x0;
	s0 =	rddreg [dreg:$0x3]  }
0x29f: {  	s0 =	sadd.s32 @!p0 $0x100000, s0  }
0x2a0: {  	[sflag:s0] =	ssyncadd.tile.s32 @!p0 $0x1;
	_ =	shalt  }
.Lfunc_end2:
_tile_overlayer_lowered:
.L_overlay_start_2:
0x2a1: {  	(tag) =	ssettag $0x2  }
0x2a2: {  	s0 =	rddreg [dreg:$0x0];
	s2 =	stileid.u32  }
0x2a3: {  	s1 =	rddreg [dreg:$0x1];
	p0 =	sne.s32 s2, $0x0  }
0x2a4: {  	s3 =	rddreg [dreg:$0x2];
	[bflag:$0x3] =	sbarrier.arrive $0xFFFF;
	s2 =	simm.s32 @!p0 $0x1C07  }
0x2a5: {  	[timem:s3], [sflag:s2] =	dma.local @!p0 [hbm:s0], s1  }
0x2a6: {  	s0 =	simm.s32 @!p0 $0x7  }
0x2a7: {  	_ =	swait.ge @!p0 [sflag:s0], s1  }
0x2a8: {  	s1 =	ssub.s32 @!p0 $0x0, s1;
	[sflag:s0] =	ssyncset.done @!p0 $0x0  }
0x2a9: {  	[sflag:s0] =	ssyncadd.s32 @!p0 s1  }
0x2aa: {  	[bflag:$0x3] =	sbarrier.arrive $0xFFFF  }
0x2ab: {  	_ =	shalt  }

</sc_bundles>
